<compile_context>
chip_gen: v7x
topology: tpu7x:2x2x1
jax: 0.10.2.dev20260603
libtpu: 0.0.44.dev20260713+nightly
codegen_flags: <defaults>
</compile_context>

<pallas_src>
import jax
import jax.numpy as jnp
from jax import lax
from jax.experimental import pallas as pl
from jax.experimental.pallas import tpu as pltpu
from jax.experimental.pallas import tpu_sc as plsc

N = 10000
E = 320000
D = 128
C = 10

NC = 2
NS = 16
NW = NC * NS
NPAD = 10240
RPT = NPAD // NS
CHP = 128
NCHP = 80
EPW = NCHP * CHP
EPAD = NW * EPW

BLK = 1024
GRID = NPAD // BLK



def _sc_segsum_body(with_deg, *refs):
    if with_deg:
        (mat_hbm, src_hbm, dstr_hbm, zrow_hbm, zdeg_hbm, ones_hbm,
         out_hbm, dout_hbm,
         dst_v, sidx0, sidx1, rows0, rows1, acc,
         semi0, semi1, semg0, semg1, sems0, sems1, ones_v, dacc) = refs
    else:
        (mat_hbm, src_hbm, dstr_hbm, zrow_hbm,
         out_hbm,
         dst_v, sidx0, sidx1, rows0, rows1, acc,
         semi0, semi1, semg0, semg1, sems0, sems1) = refs
    cid = lax.axis_index("c")
    sid = lax.axis_index("s")
    wid = cid * NS + sid
    base = wid * EPW

    def idx_src(j):
        return src_hbm.at[pl.ds(base + j * CHP, CHP)]

    pltpu.sync_copy(idx_src(0), sidx0)
    pltpu.async_copy(mat_hbm.at[sidx0], rows0, semg0)
    pltpu.async_copy(idx_src(1), sidx1, semi1)

    pltpu.sync_copy(dstr_hbm.at[wid], dst_v)

    pltpu.sync_copy(zrow_hbm, acc.at[pl.ds(sid * RPT, RPT)])

    if with_deg:
        pltpu.sync_copy(zdeg_hbm, dacc.at[pl.ds(sid * RPT, RPT)])
        pltpu.sync_copy(ones_hbm, ones_v)

    plsc.subcore_barrier()

    def stage(j, sidx_c, semi_c, rows_c, semg_c, sems_c,
              sidx_n, semi_n, rows_n, semg_n, sems_n):
        @pl.when(j + 1 < NCHP)
        def _():
            pltpu.make_async_copy(idx_src(j + 1), sidx_n, semi_n).wait()

        pltpu.make_async_copy(mat_hbm.at[sidx_c], rows_c, semg_c).wait()

        @pl.when(j + 1 < NCHP)
        def _():
            @pl.when(j >= 1)
            def _():
                pltpu.make_async_copy(rows_n, acc.at[dst_v.at[j - 1]],
                                      sems_n).wait()

            pltpu.async_copy(mat_hbm.at[sidx_n], rows_n, semg_n)

        @pl.when(j + 2 < NCHP)
        def _():
            pltpu.async_copy(idx_src(j + 2), sidx_c, semi_c)

        pltpu.async_copy(rows_c, acc.at[dst_v.at[j]], sems_c, add=True)
        if with_deg:
            pltpu.sync_copy(ones_v, dacc.at[dst_v.at[j]], add=True)

    def chunk(j, carry):
        @pl.when(j % 2 == 0)
        def _():
            stage(j, sidx0, semi0, rows0, semg0, sems0,
                  sidx1, semi1, rows1, semg1, sems1)

        @pl.when(j % 2 == 1)
        def _():
            stage(j, sidx1, semi1, rows1, semg1, sems1,
                  sidx0, semi0, rows0, semg0, sems0)

        return carry

    lax.fori_loop(0, NCHP, chunk, 0)

    pltpu.make_async_copy(rows0, acc.at[dst_v.at[NCHP - 2]], sems0).wait()
    pltpu.make_async_copy(rows1, acc.at[dst_v.at[NCHP - 1]], sems1).wait()

    plsc.subcore_barrier()

    pltpu.sync_copy(acc.at[pl.ds(sid * RPT, RPT)],
                    out_hbm.at[cid, pl.ds(sid * RPT, RPT)])
    if with_deg:
        pltpu.sync_copy(dacc.at[pl.ds(sid * RPT, RPT)],
                        dout_hbm.at[cid, pl.ds(sid * RPT, RPT)])


def _sc_segsum(mat, srcp, dstr, zrow, zdeg=None, ones=None):
    with_deg = zdeg is not None
    out_type = [jax.ShapeDtypeStruct((NC, NPAD, D), jnp.float32)]
    scratch = [
        pltpu.VMEM((NCHP, CHP), jnp.int32),
        pltpu.VMEM((CHP,), jnp.int32),
        pltpu.VMEM((CHP,), jnp.int32),
        pltpu.VMEM((CHP, D), jnp.float32),
        pltpu.VMEM((CHP, D), jnp.float32),
        pltpu.VMEM_SHARED((NPAD, D), jnp.float32),
        pltpu.SemaphoreType.DMA,
        pltpu.SemaphoreType.DMA,
        pltpu.SemaphoreType.DMA,
        pltpu.SemaphoreType.DMA,
        pltpu.SemaphoreType.DMA,
        pltpu.SemaphoreType.DMA,
    ]
    if with_deg:
        out_type.append(jax.ShapeDtypeStruct((NC, NPAD), jnp.float32))
        scratch += [pltpu.VMEM((CHP,), jnp.float32),
                    pltpu.VMEM_SHARED((NPAD,), jnp.float32)]
    mesh = plsc.VectorSubcoreMesh(core_axis_name="c", subcore_axis_name="s")
    fn = pl.kernel(
        lambda *refs: _sc_segsum_body(with_deg, *refs),
        out_type=tuple(out_type) if with_deg else out_type[0],
        mesh=mesh,
        scratch_types=scratch,
        name="sc_segsum_deg" if with_deg else "sc_segsum",
    )
    if with_deg:
        return fn(mat, srcp, dstr, zrow, zdeg, ones)
    return fn(mat, srcp, dstr, zrow)



def _mm_t(a, w):
    return lax.dot_general(a, w, (((1,), (1,)), ((), ())),
                           preferred_element_type=jnp.float32)


def _h1_body(p_ref, deg_ref, x_ref, wrel_ref, brel_ref, wroot_ref, out_ref):
    i = pl.program_id(0)
    dd = deg_ref[...]
    deg = (dd[0] + dd[1])[:, None]
    rec = 1.0 / jnp.maximum(deg, 1.0)
    agg = (p_ref[0] + p_ref[1]) * rec
    h = _mm_t(agg, wrel_ref[...]) + brel_ref[...] + _mm_t(x_ref[...], wroot_ref[...])
    h = jnp.maximum(h, 0.0)
    row = i * BLK + lax.broadcasted_iota(jnp.int32, (BLK, 1), 0)
    out_ref[...] = jnp.where(row < N, h, 0.0)


def _tc_h1(P, DEG, xp, W_rel, b_rel, W_root):
    return pl.pallas_call(
        _h1_body,
        grid=(GRID,),
        in_specs=[
            pl.BlockSpec((NC, BLK, D), lambda i: (0, i, 0)),
            pl.BlockSpec((NC, BLK), lambda i: (0, i)),
            pl.BlockSpec((BLK, D), lambda i: (i, 0)),
            pl.BlockSpec((D, D), lambda i: (0, 0)),
            pl.BlockSpec((1, D), lambda i: (0, 0)),
            pl.BlockSpec((D, D), lambda i: (0, 0)),
        ],
        out_specs=pl.BlockSpec((BLK, D), lambda i: (i, 0)),
        out_shape=jax.ShapeDtypeStruct((NPAD, D), jnp.float32),
        name="tc_h1",
    )(P, DEG, xp, W_rel, b_rel, W_root)


def _head_body(p_ref, deg_ref, h1_ref, wrel_ref, brel_ref, wroot_ref,
               wl1_ref, bl1_ref, wl2_ref, bl2_ref, out_ref, acc1, acc2):
    i = pl.program_id(0)

    @pl.when(i == 0)
    def _():
        acc1[...] = jnp.zeros_like(acc1)
        acc2[...] = jnp.zeros_like(acc2)

    h1 = h1_ref[...]
    dd = deg_ref[...]
    deg = (dd[0] + dd[1])[:, None]
    rec = 1.0 / jnp.maximum(deg, 1.0)
    agg = (p_ref[0] + p_ref[1]) * rec
    h2 = _mm_t(agg, wrel_ref[...]) + brel_ref[...] + _mm_t(h1, wroot_ref[...])
    h2 = jnp.maximum(h2, 0.0)
    row = i * BLK + lax.broadcasted_iota(jnp.int32, (BLK, 1), 0)
    h2 = jnp.where(row < N, h2, 0.0)

    acc1[...] += jnp.sum(h1.reshape(BLK // 8, 8, D), axis=0)
    acc2[...] += jnp.sum(h2.reshape(BLK // 8, 8, D), axis=0)

    @pl.when(i == GRID - 1)
    def _():
        s1 = jnp.sum(acc1[...], axis=0, keepdims=True) * (1.0 / N)
        s2 = jnp.sum(acc2[...], axis=0, keepdims=True) * (1.0 / N)
        pooled = jnp.concatenate([s1, s2], axis=1)
        pooled8 = jnp.broadcast_to(pooled, (8, 2 * D))
        z = jnp.maximum(_mm_t(pooled8, wl1_ref[...]) + bl1_ref[...], 0.0)
        logits = _mm_t(z, wl2_ref[...]) + bl2_ref[...]
        m = jnp.max(logits, axis=1, keepdims=True)
        lse = jnp.log(jnp.sum(jnp.exp(logits - m), axis=1, keepdims=True)) + m
        out_ref[...] = (logits - lse)[0:1, :]


def _tc_head(P, DEG, h1, W_rel, b_rel, W_root, W_lin1, b_lin1, W_lin2, b_lin2):
    return pl.pallas_call(
        _head_body,
        grid=(GRID,),
        in_specs=[
            pl.BlockSpec((NC, BLK, D), lambda i: (0, i, 0)),
            pl.BlockSpec((NC, BLK), lambda i: (0, i)),
            pl.BlockSpec((BLK, D), lambda i: (i, 0)),
            pl.BlockSpec((D, D), lambda i: (0, 0)),
            pl.BlockSpec((1, D), lambda i: (0, 0)),
            pl.BlockSpec((D, D), lambda i: (0, 0)),
            pl.BlockSpec((D, 2 * D), lambda i: (0, 0)),
            pl.BlockSpec((1, D), lambda i: (0, 0)),
            pl.BlockSpec((C, D), lambda i: (0, 0)),
            pl.BlockSpec((1, C), lambda i: (0, 0)),
        ],
        out_specs=pl.BlockSpec((1, C), lambda i: (0, 0)),
        out_shape=jax.ShapeDtypeStruct((1, C), jnp.float32),
        scratch_shapes=[pltpu.VMEM((8, D), jnp.float32),
                        pltpu.VMEM((8, D), jnp.float32)],
        name="tc_head",
    )(P, DEG, h1, W_rel, b_rel, W_root, W_lin1, b_lin1, W_lin2, b_lin2)



def kernel(x, edge_index, batch, W_rel1, b_rel1, W_root1,
           W_rel2, b_rel2, W_root2, W_lin1, b_lin1, W_lin2, b_lin2):
    pad_src = N + jnp.arange(EPAD - E, dtype=jnp.int32) % (NPAD - N)
    pad_dst = N + jnp.arange(EPAD - E, dtype=jnp.int32) % (NPAD - N)
    srcp = jnp.concatenate([edge_index[0], pad_src])
    dstr = jnp.concatenate([edge_index[1], pad_dst]).reshape(NW, NCHP, CHP)
    xp = jnp.concatenate([x, jnp.zeros((NPAD - N, D), x.dtype)], axis=0)
    zrow = jnp.zeros((RPT, D), jnp.float32)
    zdeg = jnp.zeros((RPT,), jnp.float32)

    P1, DEG = _sc_segsum(xp, srcp, dstr, zrow, zdeg,
                         jnp.ones((CHP,), jnp.float32))
    h1 = _tc_h1(P1, DEG, xp, W_rel1, b_rel1.reshape(1, D), W_root1)
    P2 = _sc_segsum(h1, srcp, dstr, zrow)
    return _tc_head(P2, DEG, h1, W_rel2, b_rel2.reshape(1, D), W_root2,
                    W_lin1, b_lin1.reshape(1, D), W_lin2, b_lin2.reshape(1, C))

# --- scband reference (transcript-rebuilt; emitter-appended) ---
"""Pipeline reference for scband-asap-35622458753573 (READ-ONLY COPY).

The authoritative reference and input builder live on the scoring server;
editing this copy changes nothing except your own understanding.
"""

import jax, jax.numpy as jnp
import numpy as np

N = 10000
E = 320000
D = 128
H = 128
C = 10

def setup_inputs(seed: int = 0) -> dict:
    key = jax.random.key(seed)
    ks = jax.random.split(key, 12)
    s = 0.05
    inp = {}
    inp["x"] = jax.random.normal(ks[0], (N, D), dtype=jnp.float32)
    inp["edge_index"] = jax.random.randint(ks[1], (2, E), 0, N, dtype=jnp.int32)
    inp["batch"] = jnp.zeros((N,), dtype=jnp.int32)
    # GraphConv(128->128) conv1: lin_rel (weight+bias), lin_root (no bias)
    inp["W_rel1"] = jax.random.normal(ks[2], (H, D), dtype=jnp.float32) * s
    inp["b_rel1"] = jnp.zeros((H,), dtype=jnp.float32)
    inp["W_root1"] = jax.random.normal(ks[3], (H, D), dtype=jnp.float32) * s
    # GraphConv(128->128) convs[0]
    inp["W_rel2"] = jax.random.normal(ks[4], (H, H), dtype=jnp.float32) * s
    inp["b_rel2"] = jnp.zeros((H,), dtype=jnp.float32)
    inp["W_root2"] = jax.random.normal(ks[5], (H, H), dtype=jnp.float32) * s
    # lin1: Linear(num_layers*hidden=256 -> 128)
    inp["W_lin1"] = jax.random.normal(ks[6], (H, 2 * H), dtype=jnp.float32) * s
    inp["b_lin1"] = jnp.zeros((H,), dtype=jnp.float32)
    # lin2: Linear(128 -> 10)
    inp["W_lin2"] = jax.random.normal(ks[7], (C, H), dtype=jnp.float32) * s
    inp["b_lin2"] = jnp.zeros((C,), dtype=jnp.float32)
    return inp

def graph_conv_mean(x, src, dst, W_rel, b_rel, W_root, n):
    # PyG GraphConv with aggr='mean': out = lin_rel(mean_{j->i} x_j) + lin_root(x_i)
    msgs = x[src]
    agg = jax.ops.segment_sum(msgs, dst, num_segments=n)
    deg = jax.ops.segment_sum(jnp.ones((src.shape[0],), dtype=x.dtype), dst, num_segments=n)
    agg = agg / jnp.clip(deg, 1.0)[:, None]
    return agg @ W_rel.T + b_rel + x @ W_root.T

def global_mean_pool(x, batch, num_graphs):
    ssum = jax.ops.segment_sum(x, batch, num_segments=num_graphs)
    cnt = jax.ops.segment_sum(jnp.ones((x.shape[0],), dtype=x.dtype), batch, num_segments=num_graphs)
    return ssum / jnp.clip(cnt, 1.0)[:, None]

def reference(x, edge_index, batch, W_rel1, b_rel1, W_root1, W_rel2, b_rel2, W_root2, W_lin1, b_lin1, W_lin2, b_lin2):
    n = x.shape[0]
    src = edge_index[0]
    dst = edge_index[1]
    # x = relu(conv1(x, edge_index))   [kind='None' relu]
    h1 = jax.nn.relu(graph_conv_mean(x, src, dst, W_rel1, b_rel1, W_root1, n))
    xs = [global_mean_pool(h1, batch, 1)]
    # single conv in self.convs (num_layers=2); pooling branch never triggers (i < len(convs)-1 is False)
    h2 = jax.nn.relu(graph_conv_mean(h1, src, dst, W_rel2, b_rel2, W_root2, n))
    xs.append(global_mean_pool(h2, batch, 1))
    # JumpingKnowledge(mode='cat')
    h = jnp.concatenate(xs, axis=-1)
    h = jax.nn.relu(h @ W_lin1.T + b_lin1)
    # dropout p=0.5 is identity in eval mode
    h = h @ W_lin2.T + b_lin2
    return jax.nn.log_softmax(h, axis=-1)

if __name__ == "__main__":
    import jax
    _d = setup_inputs()
    print(jax.jit(kernel)(*tuple(_d.values())))

</pallas_src>

<mosaic_0001>
#map = affine_map<(d0, d1) -> (0, 0)>
#map1 = affine_map<(d0, d1) -> (0)>
#map2 = affine_map<(d0, d1) -> (0, 0, 0)>
module attributes {stable_mosaic.version = 14 : i64} {
  func.func @sc_segsum(%arg0: i32, %arg1: i32, %arg2: memref<10240x128xf32, #tpu.memory_space<hbm>>, %arg3: memref<327680xi32, #tpu.memory_space<hbm>>, %arg4: memref<32x80x128xi32, #tpu.memory_space<hbm>>, %arg5: memref<640x128xf32, #tpu.memory_space<hbm>>, %arg6: memref<2x10240x128xf32, #tpu.memory_space<hbm>>, %arg7: memref<80x128xi32, #tpu.memory_space<vmem>>, %arg8: memref<128xi32, #tpu.memory_space<vmem>>, %arg9: memref<128xi32, #tpu.memory_space<vmem>>, %arg10: memref<128x128xf32, #tpu.memory_space<vmem>>, %arg11: memref<128x128xf32, #tpu.memory_space<vmem>>, %arg12: memref<10240x128xf32, #tpu.memory_space<vmem_shared>>, %arg13: memref<!tpu.dma_semaphore, #tpu.memory_space<semaphore_mem>>, %arg14: memref<!tpu.dma_semaphore, #tpu.memory_space<semaphore_mem>>, %arg15: memref<!tpu.dma_semaphore, #tpu.memory_space<semaphore_mem>>, %arg16: memref<!tpu.dma_semaphore, #tpu.memory_space<semaphore_mem>>, %arg17: memref<!tpu.dma_semaphore, #tpu.memory_space<semaphore_mem>>, %arg18: memref<!tpu.dma_semaphore, #tpu.memory_space<semaphore_mem>>) attributes {dimension_semantics = [#tpu.dimension_semantics<core_parallel>, #tpu.dimension_semantics<subcore_parallel>], iteration_bounds = array<i64: 2, 16>, scalar_prefetch = 0 : i64, scratch_operands = 12 : i64, tpu.core_type = #tpu.core_type<sc_vector_subcore>, window_params = [{transform_indices = #map}, {transform_indices = #map1}, {transform_indices = #map2}, {transform_indices = #map}, {transform_indices = #map2}]} {
    %mul3A = arith.constant 16 : i32
    %mul3A_0 = arith.muli %arg0, %mul3A : i32
    %add3A = arith.addi %mul3A_0, %arg1 : i32
    %mul3A_1 = arith.constant 10240 : i32
    %mul3A_2 = arith.muli %add3A, %mul3A_1 : i32
    %add3A_3 = arith.constant 0 : i32
    %add3A_4 = arith.addi %mul3A_2, %add3A_3 : i32
    "tpu.region"() ({
      %run_scoped3A = tpu.sem_alloc : memref<!tpu.dma_semaphore, #tpu.memory_space<semaphore_mem>>
      %dma_start3A_36 = tpu.memref_slice %arg3[%add3A_4] : memref<327680xi32, #tpu.memory_space<hbm>> -> memref<128xi32, #tpu.memory_space<hbm>>
      %dma_start3A_37 = tpu.memref_slice %arg3[%add3A_4] : memref<327680xi32, #tpu.memory_space<hbm>> -> memref<128xi32, #tpu.memory_space<hbm>>
      tpu.enqueue_dma source(%dma_start3A_37 : memref<128xi32, #tpu.memory_space<hbm>>) target(%arg8 : memref<128xi32, #tpu.memory_space<vmem>>) target_semaphore(%run_scoped3A : memref<!tpu.dma_semaphore, #tpu.memory_space<semaphore_mem>>)
      %dma_wait3A_38 = tpu.memref_slice %arg3[%add3A_4] : memref<327680xi32, #tpu.memory_space<hbm>> -> memref<128xi32, #tpu.memory_space<hbm>>
      %dma_wait3A_39 = tpu.memref_slice %arg3[%add3A_4] : memref<327680xi32, #tpu.memory_space<hbm>> -> memref<128xi32, #tpu.memory_space<hbm>>
      tpu.wait_dma2 semaphore(%run_scoped3A : memref<!tpu.dma_semaphore, #tpu.memory_space<semaphore_mem>>) src(%dma_wait3A_39 : memref<128xi32, #tpu.memory_space<hbm>>) dst(%arg8 : memref<128xi32, #tpu.memory_space<vmem>>)
      tpu.yield
    }) : () -> ()
    %dma_start3A = arith.constant 0 : i32
    %dma_start3A_5 = arith.constant 0 : i32
    %dma_start3A_6 = tpu.memref_slice %arg2[%dma_start3A, %dma_start3A_5] : memref<10240x128xf32, #tpu.memory_space<hbm>> -> memref<10240x128xf32, #tpu.memory_space<hbm>>
    tpu.enqueue_indirect_dma source(%dma_start3A_6 : memref<10240x128xf32, #tpu.memory_space<hbm>>) target(%arg10 : memref<128x128xf32, #tpu.memory_space<vmem>>) offsets(%arg8 : memref<128xi32, #tpu.memory_space<vmem>>) semaphore(%arg15 : memref<!tpu.dma_semaphore, #tpu.memory_space<semaphore_mem>>)
    %add3A_7 = arith.constant 128 : i32
    %add3A_8 = arith.addi %mul3A_2, %add3A_7 : i32
    %dma_start3A_9 = tpu.memref_slice %arg3[%add3A_8] : memref<327680xi32, #tpu.memory_space<hbm>> -> memref<128xi32, #tpu.memory_space<hbm>>
    %dma_start3A_10 = tpu.memref_slice %arg3[%add3A_8] : memref<327680xi32, #tpu.memory_space<hbm>> -> memref<128xi32, #tpu.memory_space<hbm>>
    tpu.enqueue_dma source(%dma_start3A_10 : memref<128xi32, #tpu.memory_space<hbm>>) target(%arg9 : memref<128xi32, #tpu.memory_space<vmem>>) target_semaphore(%arg14 : memref<!tpu.dma_semaphore, #tpu.memory_space<semaphore_mem>>)
    "tpu.region"() ({
      %run_scoped3A = tpu.sem_alloc : memref<!tpu.dma_semaphore, #tpu.memory_space<semaphore_mem>>
      %dma_start3A_36 = arith.constant 0 : i32
      %dma_start3A_37 = arith.constant 0 : i32
      %dma_start3A_38 = tpu.memref_slice %arg4[%add3A, %dma_start3A_36, %dma_start3A_37] : memref<32x80x128xi32, #tpu.memory_space<hbm>> -> memref<1x80x128xi32, #tpu.memory_space<hbm>>
      %dma_start3A_39 = tpu.memref_squeeze %dma_start3A_38 : memref<1x80x128xi32, #tpu.memory_space<hbm>> -> memref<80x128xi32, #tpu.memory_space<hbm>>
      %dma_start3A_40 = arith.constant 0 : i32
      %dma_start3A_41 = arith.constant 0 : i32
      %dma_start3A_42 = tpu.memref_slice %arg4[%add3A, %dma_start3A_40, %dma_start3A_41] : memref<32x80x128xi32, #tpu.memory_space<hbm>> -> memref<1x80x128xi32, #tpu.memory_space<hbm>>
      %dma_start3A_43 = tpu.memref_squeeze %dma_start3A_42 : memref<1x80x128xi32, #tpu.memory_space<hbm>> -> memref<80x128xi32, #tpu.memory_space<hbm>>
      tpu.enqueue_dma source(%dma_start3A_43 : memref<80x128xi32, #tpu.memory_space<hbm>>) target(%arg7 : memref<80x128xi32, #tpu.memory_space<vmem>>) target_semaphore(%run_scoped3A : memref<!tpu.dma_semaphore, #tpu.memory_space<semaphore_mem>>)
      %dma_wait3A_44 = arith.constant 0 : i32
      %dma_wait3A_45 = arith.constant 0 : i32
      %dma_wait3A_46 = tpu.memref_slice %arg4[%add3A, %dma_wait3A_44, %dma_wait3A_45] : memref<32x80x128xi32, #tpu.memory_space<hbm>> -> memref<1x80x128xi32, #tpu.memory_space<hbm>>
      %dma_wait3A_47 = tpu.memref_squeeze %dma_wait3A_46 : memref<1x80x128xi32, #tpu.memory_space<hbm>> -> memref<80x128xi32, #tpu.memory_space<hbm>>
      %dma_wait3A_48 = arith.constant 0 : i32
      %dma_wait3A_49 = arith.constant 0 : i32
      %dma_wait3A_50 = tpu.memref_slice %arg4[%add3A, %dma_wait3A_48, %dma_wait3A_49] : memref<32x80x128xi32, #tpu.memory_space<hbm>> -> memref<1x80x128xi32, #tpu.memory_space<hbm>>
      %dma_wait3A_51 = tpu.memref_squeeze %dma_wait3A_50 : memref<1x80x128xi32, #tpu.memory_space<hbm>> -> memref<80x128xi32, #tpu.memory_space<hbm>>
      tpu.wait_dma2 semaphore(%run_scoped3A : memref<!tpu.dma_semaphore, #tpu.memory_space<semaphore_mem>>) src(%dma_wait3A_51 : memref<80x128xi32, #tpu.memory_space<hbm>>) dst(%arg7 : memref<80x128xi32, #tpu.memory_space<vmem>>)
      tpu.yield
    }) : () -> ()
    %mul3A_11 = arith.constant 640 : i32
    %mul3A_12 = arith.muli %arg1, %mul3A_11 : i32
    "tpu.region"() ({
      %run_scoped3A = tpu.sem_alloc : memref<!tpu.dma_semaphore, #tpu.memory_space<semaphore_mem>>
      %dma_start3A_36 = arith.constant 0 : i32
      %dma_start3A_37 = tpu.memref_slice %arg12[%mul3A_12, %dma_start3A_36] : memref<10240x128xf32, #tpu.memory_space<vmem_shared>> -> memref<640x128xf32, #tpu.memory_space<vmem_shared>>
      tpu.enqueue_dma source(%arg5 : memref<640x128xf32, #tpu.memory_space<hbm>>) target(%dma_start3A_37 : memref<640x128xf32, #tpu.memory_space<vmem_shared>>) target_semaphore(%run_scoped3A : memref<!tpu.dma_semaphore, #tpu.memory_space<semaphore_mem>>)
      %dma_wait3A_38 = arith.constant 0 : i32
      %dma_wait3A_39 = tpu.memref_slice %arg12[%mul3A_12, %dma_wait3A_38] : memref<10240x128xf32, #tpu.memory_space<vmem_shared>> -> memref<640x128xf32, #tpu.memory_space<vmem_shared>>
      tpu.wait_dma2 semaphore(%run_scoped3A : memref<!tpu.dma_semaphore, #tpu.memory_space<semaphore_mem>>) src(%arg5 : memref<640x128xf32, #tpu.memory_space<hbm>>) dst(%dma_wait3A_39 : memref<640x128xf32, #tpu.memory_space<vmem_shared>>)
      tpu.yield
    }) : () -> ()
    %barrier3A = arith.constant 0 : index
    tpu.barrier barrier_id(%barrier3A)
    %scan3A = arith.constant 0 : i32
    %scan3A_13 = arith.constant 0 : i32
    %scan3A_14 = arith.constant 80 : i32
    %scan3A_15 = arith.addi %scan3A_13, %scan3A_14 : i32
    %scan3A_16 = arith.constant 1 : i32
    scf.for %scan3A_36 = %scan3A_13 to %scan3A_15 step %scan3A_16  : i32 {
      %jit3A = arith.constant 2 : i32
      %eq3A = arith.constant 0 : i32
      %eq3A_37 = arith.cmpi eq, %jit3A, %eq3A : i32
      %jit3A_38 = arith.constant 1 : i32
      %select_n3A = arith.select %eq3A_37, %jit3A_38, %jit3A : i32
      %rem3A = arith.remsi %scan3A_36, %select_n3A : i32
      %ne3A = arith.constant 0 : i32
      %ne3A_39 = arith.cmpi ne, %rem3A, %ne3A : i32
      %lt3A = arith.constant 0 : i32
      %lt3A_40 = arith.cmpi slt, %rem3A, %lt3A : i32
      %lt3A_41 = arith.constant 0 : i32
      %lt3A_42 = arith.cmpi slt, %select_n3A, %lt3A_41 : i32
      %ne3A_43 = arith.xori %lt3A_40, %lt3A_42 : i1
      %and3A = arith.andi %ne3A_43, %ne3A_39 : i1
      %add3A_44 = arith.addi %rem3A, %select_n3A : i32
      %select_n3A_45 = arith.select %and3A, %add3A_44, %rem3A : i32
      %eq3A_46 = arith.constant 0 : i32
      %eq3A_47 = arith.cmpi eq, %select_n3A_45, %eq3A_46 : i32
      %convert_element_type3A = arith.extui %eq3A_47 : i1 to i32
      %cond3A = arith.constant 0 : i32
      %cond3A_48 = arith.cmpi ne, %convert_element_type3A, %cond3A : i32
      scf.if %cond3A_48 {
        %add3A_70 = arith.constant 1 : i32
        %add3A_71 = arith.addi %scan3A_36, %add3A_70 : i32
        %lt3A_72 = arith.constant 80 : i32
        %lt3A_73 = arith.cmpi slt, %add3A_71, %lt3A_72 : i32
        %convert_element_type3A_74 = arith.extui %lt3A_73 : i1 to i32
        %cond3A_75 = arith.constant 0 : i32
        %cond3A_76 = arith.cmpi ne, %convert_element_type3A_74, %cond3A_75 : i32
        scf.if %cond3A_76 {
          %add3A_100 = arith.constant 1 : i32
          %add3A_101 = arith.addi %scan3A_36, %add3A_100 : i32
          %mul3A_102 = arith.constant 128 : i32
          %mul3A_103 = arith.muli %add3A_101, %mul3A_102 : i32
          %add3A_104 = arith.addi %mul3A_2, %mul3A_103 : i32
          %dma_wait3A_105 = tpu.memref_slice %arg3[%add3A_104] : memref<327680xi32, #tpu.memory_space<hbm>> -> memref<128xi32, #tpu.memory_space<hbm>>
          %dma_wait3A_106 = tpu.memref_slice %arg3[%add3A_104] : memref<327680xi32, #tpu.memory_space<hbm>> -> memref<128xi32, #tpu.memory_space<hbm>>
          tpu.wait_dma2 semaphore(%arg14 : memref<!tpu.dma_semaphore, #tpu.memory_space<semaphore_mem>>) src(%dma_wait3A_106 : memref<128xi32, #tpu.memory_space<hbm>>) dst(%arg9 : memref<128xi32, #tpu.memory_space<vmem>>)
        } else {
        }
        %dma_wait3A_77 = arith.constant 0 : i32
        %dma_wait3A_78 = arith.constant 0 : i32
        %dma_wait3A_79 = tpu.memref_slice %arg2[%dma_wait3A_77, %dma_wait3A_78] : memref<10240x128xf32, #tpu.memory_space<hbm>> -> memref<10240x128xf32, #tpu.memory_space<hbm>>
        tpu.wait_indirect_dma semaphore(%arg15 : memref<!tpu.dma_semaphore, #tpu.memory_space<semaphore_mem>>) src(%dma_wait3A_79 : memref<10240x128xf32, #tpu.memory_space<hbm>>) dst(%arg10 : memref<128x128xf32, #tpu.memory_space<vmem>>)
        %add3A_80 = arith.constant 1 : i32
        %add3A_81 = arith.addi %scan3A_36, %add3A_80 : i32
        %lt3A_82 = arith.constant 80 : i32
        %lt3A_83 = arith.cmpi slt, %add3A_81, %lt3A_82 : i32
        %convert_element_type3A_84 = arith.extui %lt3A_83 : i1 to i32
        %cond3A_85 = arith.constant 0 : i32
        %cond3A_86 = arith.cmpi ne, %convert_element_type3A_84, %cond3A_85 : i32
        scf.if %cond3A_86 {
          %ge3A = arith.constant 1 : i32
          %ge3A_100 = arith.cmpi sge, %scan3A_36, %ge3A : i32
          %convert_element_type3A_101 = arith.extui %ge3A_100 : i1 to i32
          %cond3A_102 = arith.constant 0 : i32
          %cond3A_103 = arith.cmpi ne, %convert_element_type3A_101, %cond3A_102 : i32
          scf.if %cond3A_103 {
            %sub3A = arith.constant 1 : i32
            %sub3A_107 = arith.subi %scan3A_36, %sub3A : i32
            %dma_wait3A_108 = arith.constant 0 : i32
            %dma_wait3A_109 = tpu.memref_slice %arg7[%sub3A_107, %dma_wait3A_108] : memref<80x128xi32, #tpu.memory_space<vmem>> -> memref<1x128xi32, #tpu.memory_space<vmem>>
            %dma_wait3A_110 = tpu.memref_squeeze %dma_wait3A_109 : memref<1x128xi32, #tpu.memory_space<vmem>> -> memref<128xi32, #tpu.memory_space<vmem>>
            %dma_wait3A_111 = arith.constant 0 : i32
            %dma_wait3A_112 = arith.constant 0 : i32
            %dma_wait3A_113 = tpu.memref_slice %arg12[%dma_wait3A_111, %dma_wait3A_112] : memref<10240x128xf32, #tpu.memory_space<vmem_shared>> -> memref<10240x128xf32, #tpu.memory_space<vmem_shared>>
            tpu.wait_indirect_dma semaphore(%arg18 : memref<!tpu.dma_semaphore, #tpu.memory_space<semaphore_mem>>) src(%arg11 : memref<128x128xf32, #tpu.memory_space<vmem>>) dst(%dma_wait3A_113 : memref<10240x128xf32, #tpu.memory_space<vmem_shared>>)
          } else {
          }
          %dma_start3A_104 = arith.constant 0 : i32
          %dma_start3A_105 = arith.constant 0 : i32
          %dma_start3A_106 = tpu.memref_slice %arg2[%dma_start3A_104, %dma_start3A_105] : memref<10240x128xf32, #tpu.memory_space<hbm>> -> memref<10240x128xf32, #tpu.memory_space<hbm>>
          tpu.enqueue_indirect_dma source(%dma_start3A_106 : memref<10240x128xf32, #tpu.memory_space<hbm>>) target(%arg11 : memref<128x128xf32, #tpu.memory_space<vmem>>) offsets(%arg9 : memref<128xi32, #tpu.memory_space<vmem>>) semaphore(%arg16 : memref<!tpu.dma_semaphore, #tpu.memory_space<semaphore_mem>>)
        } else {
        }
        %add3A_87 = arith.constant 2 : i32
        %add3A_88 = arith.addi %scan3A_36, %add3A_87 : i32
        %lt3A_89 = arith.constant 80 : i32
        %lt3A_90 = arith.cmpi slt, %add3A_88, %lt3A_89 : i32
        %convert_element_type3A_91 = arith.extui %lt3A_90 : i1 to i32
        %cond3A_92 = arith.constant 0 : i32
        %cond3A_93 = arith.cmpi ne, %convert_element_type3A_91, %cond3A_92 : i32
        scf.if %cond3A_93 {
          %add3A_100 = arith.constant 2 : i32
          %add3A_101 = arith.addi %scan3A_36, %add3A_100 : i32
          %mul3A_102 = arith.constant 128 : i32
          %mul3A_103 = arith.muli %add3A_101, %mul3A_102 : i32
          %add3A_104 = arith.addi %mul3A_2, %mul3A_103 : i32
          %dma_start3A_105 = tpu.memref_slice %arg3[%add3A_104] : memref<327680xi32, #tpu.memory_space<hbm>> -> memref<128xi32, #tpu.memory_space<hbm>>
          %dma_start3A_106 = tpu.memref_slice %arg3[%add3A_104] : memref<327680xi32, #tpu.memory_space<hbm>> -> memref<128xi32, #tpu.memory_space<hbm>>
          tpu.enqueue_dma source(%dma_start3A_106 : memref<128xi32, #tpu.memory_space<hbm>>) target(%arg8 : memref<128xi32, #tpu.memory_space<vmem>>) target_semaphore(%arg13 : memref<!tpu.dma_semaphore, #tpu.memory_space<semaphore_mem>>)
        } else {
        }
        %dma_start3A_94 = arith.constant 0 : i32
        %dma_start3A_95 = tpu.memref_slice %arg7[%scan3A_36, %dma_start3A_94] : memref<80x128xi32, #tpu.memory_space<vmem>> -> memref<1x128xi32, #tpu.memory_space<vmem>>
        %dma_start3A_96 = tpu.memref_squeeze %dma_start3A_95 : memref<1x128xi32, #tpu.memory_space<vmem>> -> memref<128xi32, #tpu.memory_space<vmem>>
        %dma_start3A_97 = arith.constant 0 : i32
        %dma_start3A_98 = arith.constant 0 : i32
        %dma_start3A_99 = tpu.memref_slice %arg12[%dma_start3A_97, %dma_start3A_98] : memref<10240x128xf32, #tpu.memory_space<vmem_shared>> -> memref<10240x128xf32, #tpu.memory_space<vmem_shared>>
        tpu.enqueue_indirect_dma source(%arg10 : memref<128x128xf32, #tpu.memory_space<vmem>>) target(%dma_start3A_99 : memref<10240x128xf32, #tpu.memory_space<vmem_shared>>) offsets(%dma_start3A_96 : memref<128xi32, #tpu.memory_space<vmem>>) semaphore(%arg17 : memref<!tpu.dma_semaphore, #tpu.memory_space<semaphore_mem>>) {add = true}
      } else {
      }
      %jit3A_49 = arith.constant 2 : i32
      %eq3A_50 = arith.constant 0 : i32
      %eq3A_51 = arith.cmpi eq, %jit3A_49, %eq3A_50 : i32
      %jit3A_52 = arith.constant 1 : i32
      %select_n3A_53 = arith.select %eq3A_51, %jit3A_52, %jit3A_49 : i32
      %rem3A_54 = arith.remsi %scan3A_36, %select_n3A_53 : i32
      %ne3A_55 = arith.constant 0 : i32
      %ne3A_56 = arith.cmpi ne, %rem3A_54, %ne3A_55 : i32
      %lt3A_57 = arith.constant 0 : i32
      %lt3A_58 = arith.cmpi slt, %rem3A_54, %lt3A_57 : i32
      %lt3A_59 = arith.constant 0 : i32
      %lt3A_60 = arith.cmpi slt, %select_n3A_53, %lt3A_59 : i32
      %ne3A_61 = arith.xori %lt3A_58, %lt3A_60 : i1
      %and3A_62 = arith.andi %ne3A_61, %ne3A_56 : i1
      %add3A_63 = arith.addi %rem3A_54, %select_n3A_53 : i32
      %select_n3A_64 = arith.select %and3A_62, %add3A_63, %rem3A_54 : i32
      %eq3A_65 = arith.constant 1 : i32
      %eq3A_66 = arith.cmpi eq, %select_n3A_64, %eq3A_65 : i32
      %convert_element_type3A_67 = arith.extui %eq3A_66 : i1 to i32
      %cond3A_68 = arith.constant 0 : i32
      %cond3A_69 = arith.cmpi ne, %convert_element_type3A_67, %cond3A_68 : i32
      scf.if %cond3A_69 {
        %add3A_70 = arith.constant 1 : i32
        %add3A_71 = arith.addi %scan3A_36, %add3A_70 : i32
        %lt3A_72 = arith.constant 80 : i32
        %lt3A_73 = arith.cmpi slt, %add3A_71, %lt3A_72 : i32
        %convert_element_type3A_74 = arith.extui %lt3A_73 : i1 to i32
        %cond3A_75 = arith.constant 0 : i32
        %cond3A_76 = arith.cmpi ne, %convert_element_type3A_74, %cond3A_75 : i32
        scf.if %cond3A_76 {
          %add3A_100 = arith.constant 1 : i32
          %add3A_101 = arith.addi %scan3A_36, %add3A_100 : i32
          %mul3A_102 = arith.constant 128 : i32
          %mul3A_103 = arith.muli %add3A_101, %mul3A_102 : i32
          %add3A_104 = arith.addi %mul3A_2, %mul3A_103 : i32
          %dma_wait3A_105 = tpu.memref_slice %arg3[%add3A_104] : memref<327680xi32, #tpu.memory_space<hbm>> -> memref<128xi32, #tpu.memory_space<hbm>>
          %dma_wait3A_106 = tpu.memref_slice %arg3[%add3A_104] : memref<327680xi32, #tpu.memory_space<hbm>> -> memref<128xi32, #tpu.memory_space<hbm>>
          tpu.wait_dma2 semaphore(%arg13 : memref<!tpu.dma_semaphore, #tpu.memory_space<semaphore_mem>>) src(%dma_wait3A_106 : memref<128xi32, #tpu.memory_space<hbm>>) dst(%arg8 : memref<128xi32, #tpu.memory_space<vmem>>)
        } else {
        }
        %dma_wait3A_77 = arith.constant 0 : i32
        %dma_wait3A_78 = arith.constant 0 : i32
        %dma_wait3A_79 = tpu.memref_slice %arg2[%dma_wait3A_77, %dma_wait3A_78] : memref<10240x128xf32, #tpu.memory_space<hbm>> -> memref<10240x128xf32, #tpu.memory_space<hbm>>
        tpu.wait_indirect_dma semaphore(%arg16 : memref<!tpu.dma_semaphore, #tpu.memory_space<semaphore_mem>>) src(%dma_wait3A_79 : memref<10240x128xf32, #tpu.memory_space<hbm>>) dst(%arg11 : memref<128x128xf32, #tpu.memory_space<vmem>>)
        %add3A_80 = arith.constant 1 : i32
        %add3A_81 = arith.addi %scan3A_36, %add3A_80 : i32
        %lt3A_82 = arith.constant 80 : i32
        %lt3A_83 = arith.cmpi slt, %add3A_81, %lt3A_82 : i32
        %convert_element_type3A_84 = arith.extui %lt3A_83 : i1 to i32
        %cond3A_85 = arith.constant 0 : i32
        %cond3A_86 = arith.cmpi ne, %convert_element_type3A_84, %cond3A_85 : i32
        scf.if %cond3A_86 {
          %ge3A = arith.constant 1 : i32
          %ge3A_100 = arith.cmpi sge, %scan3A_36, %ge3A : i32
          %convert_element_type3A_101 = arith.extui %ge3A_100 : i1 to i32
          %cond3A_102 = arith.constant 0 : i32
          %cond3A_103 = arith.cmpi ne, %convert_element_type3A_101, %cond3A_102 : i32
          scf.if %cond3A_103 {
            %sub3A = arith.constant 1 : i32
            %sub3A_107 = arith.subi %scan3A_36, %sub3A : i32
            %dma_wait3A_108 = arith.constant 0 : i32
            %dma_wait3A_109 = tpu.memref_slice %arg7[%sub3A_107, %dma_wait3A_108] : memref<80x128xi32, #tpu.memory_space<vmem>> -> memref<1x128xi32, #tpu.memory_space<vmem>>
            %dma_wait3A_110 = tpu.memref_squeeze %dma_wait3A_109 : memref<1x128xi32, #tpu.memory_space<vmem>> -> memref<128xi32, #tpu.memory_space<vmem>>
            %dma_wait3A_111 = arith.constant 0 : i32
            %dma_wait3A_112 = arith.constant 0 : i32
            %dma_wait3A_113 = tpu.memref_slice %arg12[%dma_wait3A_111, %dma_wait3A_112] : memref<10240x128xf32, #tpu.memory_space<vmem_shared>> -> memref<10240x128xf32, #tpu.memory_space<vmem_shared>>
            tpu.wait_indirect_dma semaphore(%arg17 : memref<!tpu.dma_semaphore, #tpu.memory_space<semaphore_mem>>) src(%arg10 : memref<128x128xf32, #tpu.memory_space<vmem>>) dst(%dma_wait3A_113 : memref<10240x128xf32, #tpu.memory_space<vmem_shared>>)
          } else {
          }
          %dma_start3A_104 = arith.constant 0 : i32
          %dma_start3A_105 = arith.constant 0 : i32
          %dma_start3A_106 = tpu.memref_slice %arg2[%dma_start3A_104, %dma_start3A_105] : memref<10240x128xf32, #tpu.memory_space<hbm>> -> memref<10240x128xf32, #tpu.memory_space<hbm>>
          tpu.enqueue_indirect_dma source(%dma_start3A_106 : memref<10240x128xf32, #tpu.memory_space<hbm>>) target(%arg10 : memref<128x128xf32, #tpu.memory_space<vmem>>) offsets(%arg8 : memref<128xi32, #tpu.memory_space<vmem>>) semaphore(%arg15 : memref<!tpu.dma_semaphore, #tpu.memory_space<semaphore_mem>>)
        } else {
        }
        %add3A_87 = arith.constant 2 : i32
        %add3A_88 = arith.addi %scan3A_36, %add3A_87 : i32
        %lt3A_89 = arith.constant 80 : i32
        %lt3A_90 = arith.cmpi slt, %add3A_88, %lt3A_89 : i32
        %convert_element_type3A_91 = arith.extui %lt3A_90 : i1 to i32
        %cond3A_92 = arith.constant 0 : i32
        %cond3A_93 = arith.cmpi ne, %convert_element_type3A_91, %cond3A_92 : i32
        scf.if %cond3A_93 {
          %add3A_100 = arith.constant 2 : i32
          %add3A_101 = arith.addi %scan3A_36, %add3A_100 : i32
          %mul3A_102 = arith.constant 128 : i32
          %mul3A_103 = arith.muli %add3A_101, %mul3A_102 : i32
          %add3A_104 = arith.addi %mul3A_2, %mul3A_103 : i32
          %dma_start3A_105 = tpu.memref_slice %arg3[%add3A_104] : memref<327680xi32, #tpu.memory_space<hbm>> -> memref<128xi32, #tpu.memory_space<hbm>>
          %dma_start3A_106 = tpu.memref_slice %arg3[%add3A_104] : memref<327680xi32, #tpu.memory_space<hbm>> -> memref<128xi32, #tpu.memory_space<hbm>>
          tpu.enqueue_dma source(%dma_start3A_106 : memref<128xi32, #tpu.memory_space<hbm>>) target(%arg9 : memref<128xi32, #tpu.memory_space<vmem>>) target_semaphore(%arg14 : memref<!tpu.dma_semaphore, #tpu.memory_space<semaphore_mem>>)
        } else {
        }
        %dma_start3A_94 = arith.constant 0 : i32
        %dma_start3A_95 = tpu.memref_slice %arg7[%scan3A_36, %dma_start3A_94] : memref<80x128xi32, #tpu.memory_space<vmem>> -> memref<1x128xi32, #tpu.memory_space<vmem>>
        %dma_start3A_96 = tpu.memref_squeeze %dma_start3A_95 : memref<1x128xi32, #tpu.memory_space<vmem>> -> memref<128xi32, #tpu.memory_space<vmem>>
        %dma_start3A_97 = arith.constant 0 : i32
        %dma_start3A_98 = arith.constant 0 : i32
        %dma_start3A_99 = tpu.memref_slice %arg12[%dma_start3A_97, %dma_start3A_98] : memref<10240x128xf32, #tpu.memory_space<vmem_shared>> -> memref<10240x128xf32, #tpu.memory_space<vmem_shared>>
        tpu.enqueue_indirect_dma source(%arg11 : memref<128x128xf32, #tpu.memory_space<vmem>>) target(%dma_start3A_99 : memref<10240x128xf32, #tpu.memory_space<vmem_shared>>) offsets(%dma_start3A_96 : memref<128xi32, #tpu.memory_space<vmem>>) semaphore(%arg18 : memref<!tpu.dma_semaphore, #tpu.memory_space<semaphore_mem>>) {add = true}
      } else {
      }
    }
    %scan3A_17 = arith.constant 80 : i32
    %dma_wait3A = arith.constant 78 : i32
    %dma_wait3A_18 = arith.constant 0 : i32
    %dma_wait3A_19 = tpu.memref_slice %arg7[%dma_wait3A, %dma_wait3A_18] : memref<80x128xi32, #tpu.memory_space<vmem>> -> memref<1x128xi32, #tpu.memory_space<vmem>>
    %dma_wait3A_20 = tpu.memref_squeeze %dma_wait3A_19 : memref<1x128xi32, #tpu.memory_space<vmem>> -> memref<128xi32, #tpu.memory_space<vmem>>
    %dma_wait3A_21 = arith.constant 0 : i32
    %dma_wait3A_22 = arith.constant 0 : i32
    %dma_wait3A_23 = tpu.memref_slice %arg12[%dma_wait3A_21, %dma_wait3A_22] : memref<10240x128xf32, #tpu.memory_space<vmem_shared>> -> memref<10240x128xf32, #tpu.memory_space<vmem_shared>>
    tpu.wait_indirect_dma semaphore(%arg17 : memref<!tpu.dma_semaphore, #tpu.memory_space<semaphore_mem>>) src(%arg10 : memref<128x128xf32, #tpu.memory_space<vmem>>) dst(%dma_wait3A_23 : memref<10240x128xf32, #tpu.memory_space<vmem_shared>>)
    %dma_wait3A_24 = arith.constant 79 : i32
    %dma_wait3A_25 = arith.constant 0 : i32
    %dma_wait3A_26 = tpu.memref_slice %arg7[%dma_wait3A_24, %dma_wait3A_25] : memref<80x128xi32, #tpu.memory_space<vmem>> -> memref<1x128xi32, #tpu.memory_space<vmem>>
    %dma_wait3A_27 = tpu.memref_squeeze %dma_wait3A_26 : memref<1x128xi32, #tpu.memory_space<vmem>> -> memref<128xi32, #tpu.memory_space<vmem>>
    %dma_wait3A_28 = arith.constant 0 : i32
    %dma_wait3A_29 = arith.constant 0 : i32
    %dma_wait3A_30 = tpu.memref_slice %arg12[%dma_wait3A_28, %dma_wait3A_29] : memref<10240x128xf32, #tpu.memory_space<vmem_shared>> -> memref<10240x128xf32, #tpu.memory_space<vmem_shared>>
    tpu.wait_indirect_dma semaphore(%arg18 : memref<!tpu.dma_semaphore, #tpu.memory_space<semaphore_mem>>) src(%arg11 : memref<128x128xf32, #tpu.memory_space<vmem>>) dst(%dma_wait3A_30 : memref<10240x128xf32, #tpu.memory_space<vmem_shared>>)
    %barrier3A_31 = arith.constant 0 : index
    tpu.barrier barrier_id(%barrier3A_31)
    %mul3A_32 = arith.constant 640 : i32
    %mul3A_33 = arith.muli %arg1, %mul3A_32 : i32
    %mul3A_34 = arith.constant 640 : i32
    %mul3A_35 = arith.muli %arg1, %mul3A_34 : i32
    "tpu.region"() ({
      %run_scoped3A = tpu.sem_alloc : memref<!tpu.dma_semaphore, #tpu.memory_space<semaphore_mem>>
      %dma_start3A_36 = arith.constant 0 : i32
      %dma_start3A_37 = tpu.memref_slice %arg6[%arg0, %mul3A_35, %dma_start3A_36] : memref<2x10240x128xf32, #tpu.memory_space<hbm>> -> memref<1x640x128xf32, #tpu.memory_space<hbm>>
      %dma_start3A_38 = tpu.memref_squeeze %dma_start3A_37 : memref<1x640x128xf32, #tpu.memory_space<hbm>> -> memref<640x128xf32, #tpu.memory_space<hbm>>
      %dma_start3A_39 = arith.constant 0 : i32
      %dma_start3A_40 = tpu.memref_slice %arg12[%mul3A_33, %dma_start3A_39] : memref<10240x128xf32, #tpu.memory_space<vmem_shared>> -> memref<640x128xf32, #tpu.memory_space<vmem_shared>>
      tpu.enqueue_dma source(%dma_start3A_40 : memref<640x128xf32, #tpu.memory_space<vmem_shared>>) target(%dma_start3A_38 : memref<640x128xf32, #tpu.memory_space<hbm>>) target_semaphore(%run_scoped3A : memref<!tpu.dma_semaphore, #tpu.memory_space<semaphore_mem>>)
      %dma_wait3A_41 = arith.constant 0 : i32
      %dma_wait3A_42 = tpu.memref_slice %arg6[%arg0, %mul3A_35, %dma_wait3A_41] : memref<2x10240x128xf32, #tpu.memory_space<hbm>> -> memref<1x640x128xf32, #tpu.memory_space<hbm>>
      %dma_wait3A_43 = tpu.memref_squeeze %dma_wait3A_42 : memref<1x640x128xf32, #tpu.memory_space<hbm>> -> memref<640x128xf32, #tpu.memory_space<hbm>>
      %dma_wait3A_44 = arith.constant 0 : i32
      %dma_wait3A_45 = tpu.memref_slice %arg12[%mul3A_33, %dma_wait3A_44] : memref<10240x128xf32, #tpu.memory_space<vmem_shared>> -> memref<640x128xf32, #tpu.memory_space<vmem_shared>>
      tpu.wait_dma2 semaphore(%run_scoped3A : memref<!tpu.dma_semaphore, #tpu.memory_space<semaphore_mem>>) src(%dma_wait3A_45 : memref<640x128xf32, #tpu.memory_space<vmem_shared>>) dst(%dma_wait3A_43 : memref<640x128xf32, #tpu.memory_space<hbm>>)
      tpu.yield
    }) : () -> ()
    return
  }
}

#map = affine_map<(d0, d1) -> (0, 0)>
#map1 = affine_map<(d0, d1) -> (0)>
#map2 = affine_map<(d0, d1) -> (0, 0, 0)>
module attributes {stable_mosaic.version = 14 : i64} {
  func.func @sc_segsum_deg(%arg0: i32, %arg1: i32, %arg2: memref<10240x128xf32, #tpu.memory_space<hbm>>, %arg3: memref<327680xi32, #tpu.memory_space<hbm>>, %arg4: memref<32x80x128xi32, #tpu.memory_space<hbm>>, %arg5: memref<640x128xf32, #tpu.memory_space<hbm>>, %arg6: memref<640xf32, #tpu.memory_space<hbm>>, %arg7: memref<128xf32, #tpu.memory_space<hbm>>, %arg8: memref<2x10240x128xf32, #tpu.memory_space<hbm>>, %arg9: memref<2x10240xf32, #tpu.memory_space<hbm>>, %arg10: memref<80x128xi32, #tpu.memory_space<vmem>>, %arg11: memref<128xi32, #tpu.memory_space<vmem>>, %arg12: memref<128xi32, #tpu.memory_space<vmem>>, %arg13: memref<128x128xf32, #tpu.memory_space<vmem>>, %arg14: memref<128x128xf32, #tpu.memory_space<vmem>>, %arg15: memref<10240x128xf32, #tpu.memory_space<vmem_shared>>, %arg16: memref<!tpu.dma_semaphore, #tpu.memory_space<semaphore_mem>>, %arg17: memref<!tpu.dma_semaphore, #tpu.memory_space<semaphore_mem>>, %arg18: memref<!tpu.dma_semaphore, #tpu.memory_space<semaphore_mem>>, %arg19: memref<!tpu.dma_semaphore, #tpu.memory_space<semaphore_mem>>, %arg20: memref<!tpu.dma_semaphore, #tpu.memory_space<semaphore_mem>>, %arg21: memref<!tpu.dma_semaphore, #tpu.memory_space<semaphore_mem>>, %arg22: memref<128xf32, #tpu.memory_space<vmem>>, %arg23: memref<10240xf32, #tpu.memory_space<vmem_shared>>) attributes {dimension_semantics = [#tpu.dimension_semantics<core_parallel>, #tpu.dimension_semantics<subcore_parallel>], iteration_bounds = array<i64: 2, 16>, scalar_prefetch = 0 : i64, scratch_operands = 14 : i64, tpu.core_type = #tpu.core_type<sc_vector_subcore>, window_params = [{transform_indices = #map}, {transform_indices = #map1}, {transform_indices = #map2}, {transform_indices = #map}, {transform_indices = #map1}, {transform_indices = #map1}, {transform_indices = #map2}, {transform_indices = #map}]} {
    %mul3A = arith.constant 16 : i32
    %mul3A_0 = arith.muli %arg0, %mul3A : i32
    %add3A = arith.addi %mul3A_0, %arg1 : i32
    %mul3A_1 = arith.constant 10240 : i32
    %mul3A_2 = arith.muli %add3A, %mul3A_1 : i32
    %add3A_3 = arith.constant 0 : i32
    %add3A_4 = arith.addi %mul3A_2, %add3A_3 : i32
    "tpu.region"() ({
      %run_scoped3A = tpu.sem_alloc : memref<!tpu.dma_semaphore, #tpu.memory_space<semaphore_mem>>
      %dma_start3A_42 = tpu.memref_slice %arg3[%add3A_4] : memref<327680xi32, #tpu.memory_space<hbm>> -> memref<128xi32, #tpu.memory_space<hbm>>
      %dma_start3A_43 = tpu.memref_slice %arg3[%add3A_4] : memref<327680xi32, #tpu.memory_space<hbm>> -> memref<128xi32, #tpu.memory_space<hbm>>
      tpu.enqueue_dma source(%dma_start3A_43 : memref<128xi32, #tpu.memory_space<hbm>>) target(%arg11 : memref<128xi32, #tpu.memory_space<vmem>>) target_semaphore(%run_scoped3A : memref<!tpu.dma_semaphore, #tpu.memory_space<semaphore_mem>>)
      %dma_wait3A_44 = tpu.memref_slice %arg3[%add3A_4] : memref<327680xi32, #tpu.memory_space<hbm>> -> memref<128xi32, #tpu.memory_space<hbm>>
      %dma_wait3A_45 = tpu.memref_slice %arg3[%add3A_4] : memref<327680xi32, #tpu.memory_space<hbm>> -> memref<128xi32, #tpu.memory_space<hbm>>
      tpu.wait_dma2 semaphore(%run_scoped3A : memref<!tpu.dma_semaphore, #tpu.memory_space<semaphore_mem>>) src(%dma_wait3A_45 : memref<128xi32, #tpu.memory_space<hbm>>) dst(%arg11 : memref<128xi32, #tpu.memory_space<vmem>>)
      tpu.yield
    }) : () -> ()
    %dma_start3A = arith.constant 0 : i32
    %dma_start3A_5 = arith.constant 0 : i32
    %dma_start3A_6 = tpu.memref_slice %arg2[%dma_start3A, %dma_start3A_5] : memref<10240x128xf32, #tpu.memory_space<hbm>> -> memref<10240x128xf32, #tpu.memory_space<hbm>>
    tpu.enqueue_indirect_dma source(%dma_start3A_6 : memref<10240x128xf32, #tpu.memory_space<hbm>>) target(%arg13 : memref<128x128xf32, #tpu.memory_space<vmem>>) offsets(%arg11 : memref<128xi32, #tpu.memory_space<vmem>>) semaphore(%arg18 : memref<!tpu.dma_semaphore, #tpu.memory_space<semaphore_mem>>)
    %add3A_7 = arith.constant 128 : i32
    %add3A_8 = arith.addi %mul3A_2, %add3A_7 : i32
    %dma_start3A_9 = tpu.memref_slice %arg3[%add3A_8] : memref<327680xi32, #tpu.memory_space<hbm>> -> memref<128xi32, #tpu.memory_space<hbm>>
    %dma_start3A_10 = tpu.memref_slice %arg3[%add3A_8] : memref<327680xi32, #tpu.memory_space<hbm>> -> memref<128xi32, #tpu.memory_space<hbm>>
    tpu.enqueue_dma source(%dma_start3A_10 : memref<128xi32, #tpu.memory_space<hbm>>) target(%arg12 : memref<128xi32, #tpu.memory_space<vmem>>) target_semaphore(%arg17 : memref<!tpu.dma_semaphore, #tpu.memory_space<semaphore_mem>>)
    "tpu.region"() ({
      %run_scoped3A = tpu.sem_alloc : memref<!tpu.dma_semaphore, #tpu.memory_space<semaphore_mem>>
      %dma_start3A_42 = arith.constant 0 : i32
      %dma_start3A_43 = arith.constant 0 : i32
      %dma_start3A_44 = tpu.memref_slice %arg4[%add3A, %dma_start3A_42, %dma_start3A_43] : memref<32x80x128xi32, #tpu.memory_space<hbm>> -> memref<1x80x128xi32, #tpu.memory_space<hbm>>
      %dma_start3A_45 = tpu.memref_squeeze %dma_start3A_44 : memref<1x80x128xi32, #tpu.memory_space<hbm>> -> memref<80x128xi32, #tpu.memory_space<hbm>>
      %dma_start3A_46 = arith.constant 0 : i32
      %dma_start3A_47 = arith.constant 0 : i32
      %dma_start3A_48 = tpu.memref_slice %arg4[%add3A, %dma_start3A_46, %dma_start3A_47] : memref<32x80x128xi32, #tpu.memory_space<hbm>> -> memref<1x80x128xi32, #tpu.memory_space<hbm>>
      %dma_start3A_49 = tpu.memref_squeeze %dma_start3A_48 : memref<1x80x128xi32, #tpu.memory_space<hbm>> -> memref<80x128xi32, #tpu.memory_space<hbm>>
      tpu.enqueue_dma source(%dma_start3A_49 : memref<80x128xi32, #tpu.memory_space<hbm>>) target(%arg10 : memref<80x128xi32, #tpu.memory_space<vmem>>) target_semaphore(%run_scoped3A : memref<!tpu.dma_semaphore, #tpu.memory_space<semaphore_mem>>)
      %dma_wait3A_50 = arith.constant 0 : i32
      %dma_wait3A_51 = arith.constant 0 : i32
      %dma_wait3A_52 = tpu.memref_slice %arg4[%add3A, %dma_wait3A_50, %dma_wait3A_51] : memref<32x80x128xi32, #tpu.memory_space<hbm>> -> memref<1x80x128xi32, #tpu.memory_space<hbm>>
      %dma_wait3A_53 = tpu.memref_squeeze %dma_wait3A_52 : memref<1x80x128xi32, #tpu.memory_space<hbm>> -> memref<80x128xi32, #tpu.memory_space<hbm>>
      %dma_wait3A_54 = arith.constant 0 : i32
      %dma_wait3A_55 = arith.constant 0 : i32
      %dma_wait3A_56 = tpu.memref_slice %arg4[%add3A, %dma_wait3A_54, %dma_wait3A_55] : memref<32x80x128xi32, #tpu.memory_space<hbm>> -> memref<1x80x128xi32, #tpu.memory_space<hbm>>
      %dma_wait3A_57 = tpu.memref_squeeze %dma_wait3A_56 : memref<1x80x128xi32, #tpu.memory_space<hbm>> -> memref<80x128xi32, #tpu.memory_space<hbm>>
      tpu.wait_dma2 semaphore(%run_scoped3A : memref<!tpu.dma_semaphore, #tpu.memory_space<semaphore_mem>>) src(%dma_wait3A_57 : memref<80x128xi32, #tpu.memory_space<hbm>>) dst(%arg10 : memref<80x128xi32, #tpu.memory_space<vmem>>)
      tpu.yield
    }) : () -> ()
    %mul3A_11 = arith.constant 640 : i32
    %mul3A_12 = arith.muli %arg1, %mul3A_11 : i32
    "tpu.region"() ({
      %run_scoped3A = tpu.sem_alloc : memref<!tpu.dma_semaphore, #tpu.memory_space<semaphore_mem>>
      %dma_start3A_42 = arith.constant 0 : i32
      %dma_start3A_43 = tpu.memref_slice %arg15[%mul3A_12, %dma_start3A_42] : memref<10240x128xf32, #tpu.memory_space<vmem_shared>> -> memref<640x128xf32, #tpu.memory_space<vmem_shared>>
      tpu.enqueue_dma source(%arg5 : memref<640x128xf32, #tpu.memory_space<hbm>>) target(%dma_start3A_43 : memref<640x128xf32, #tpu.memory_space<vmem_shared>>) target_semaphore(%run_scoped3A : memref<!tpu.dma_semaphore, #tpu.memory_space<semaphore_mem>>)
      %dma_wait3A_44 = arith.constant 0 : i32
      %dma_wait3A_45 = tpu.memref_slice %arg15[%mul3A_12, %dma_wait3A_44] : memref<10240x128xf32, #tpu.memory_space<vmem_shared>> -> memref<640x128xf32, #tpu.memory_space<vmem_shared>>
      tpu.wait_dma2 semaphore(%run_scoped3A : memref<!tpu.dma_semaphore, #tpu.memory_space<semaphore_mem>>) src(%arg5 : memref<640x128xf32, #tpu.memory_space<hbm>>) dst(%dma_wait3A_45 : memref<640x128xf32, #tpu.memory_space<vmem_shared>>)
      tpu.yield
    }) : () -> ()
    %mul3A_13 = arith.constant 640 : i32
    %mul3A_14 = arith.muli %arg1, %mul3A_13 : i32
    "tpu.region"() ({
      %run_scoped3A = tpu.sem_alloc : memref<!tpu.dma_semaphore, #tpu.memory_space<semaphore_mem>>
      %dma_start3A_42 = tpu.memref_slice %arg23[%mul3A_14] : memref<10240xf32, #tpu.memory_space<vmem_shared>> -> memref<640xf32, #tpu.memory_space<vmem_shared>>
      tpu.enqueue_dma source(%arg6 : memref<640xf32, #tpu.memory_space<hbm>>) target(%dma_start3A_42 : memref<640xf32, #tpu.memory_space<vmem_shared>>) target_semaphore(%run_scoped3A : memref<!tpu.dma_semaphore, #tpu.memory_space<semaphore_mem>>)
      %dma_wait3A_43 = tpu.memref_slice %arg23[%mul3A_14] : memref<10240xf32, #tpu.memory_space<vmem_shared>> -> memref<640xf32, #tpu.memory_space<vmem_shared>>
      tpu.wait_dma2 semaphore(%run_scoped3A : memref<!tpu.dma_semaphore, #tpu.memory_space<semaphore_mem>>) src(%arg6 : memref<640xf32, #tpu.memory_space<hbm>>) dst(%dma_wait3A_43 : memref<640xf32, #tpu.memory_space<vmem_shared>>)
      tpu.yield
    }) : () -> ()
    "tpu.region"() ({
      %run_scoped3A = tpu.sem_alloc : memref<!tpu.dma_semaphore, #tpu.memory_space<semaphore_mem>>
      tpu.enqueue_dma source(%arg7 : memref<128xf32, #tpu.memory_space<hbm>>) target(%arg22 : memref<128xf32, #tpu.memory_space<vmem>>) target_semaphore(%run_scoped3A : memref<!tpu.dma_semaphore, #tpu.memory_space<semaphore_mem>>)
      tpu.wait_dma2 semaphore(%run_scoped3A : memref<!tpu.dma_semaphore, #tpu.memory_space<semaphore_mem>>) src(%arg7 : memref<128xf32, #tpu.memory_space<hbm>>) dst(%arg22 : memref<128xf32, #tpu.memory_space<vmem>>)
      tpu.yield
    }) : () -> ()
    %barrier3A = arith.constant 0 : index
    tpu.barrier barrier_id(%barrier3A)
    %scan3A = arith.constant 0 : i32
    %scan3A_15 = arith.constant 0 : i32
    %scan3A_16 = arith.constant 80 : i32
    %scan3A_17 = arith.addi %scan3A_15, %scan3A_16 : i32
    %scan3A_18 = arith.constant 1 : i32
    scf.for %scan3A_42 = %scan3A_15 to %scan3A_17 step %scan3A_18  : i32 {
      %jit3A = arith.constant 2 : i32
      %eq3A = arith.constant 0 : i32
      %eq3A_43 = arith.cmpi eq, %jit3A, %eq3A : i32
      %jit3A_44 = arith.constant 1 : i32
      %select_n3A = arith.select %eq3A_43, %jit3A_44, %jit3A : i32
      %rem3A = arith.remsi %scan3A_42, %select_n3A : i32
      %ne3A = arith.constant 0 : i32
      %ne3A_45 = arith.cmpi ne, %rem3A, %ne3A : i32
      %lt3A = arith.constant 0 : i32
      %lt3A_46 = arith.cmpi slt, %rem3A, %lt3A : i32
      %lt3A_47 = arith.constant 0 : i32
      %lt3A_48 = arith.cmpi slt, %select_n3A, %lt3A_47 : i32
      %ne3A_49 = arith.xori %lt3A_46, %lt3A_48 : i1
      %and3A = arith.andi %ne3A_49, %ne3A_45 : i1
      %add3A_50 = arith.addi %rem3A, %select_n3A : i32
      %select_n3A_51 = arith.select %and3A, %add3A_50, %rem3A : i32
      %eq3A_52 = arith.constant 0 : i32
      %eq3A_53 = arith.cmpi eq, %select_n3A_51, %eq3A_52 : i32
      %convert_element_type3A = arith.extui %eq3A_53 : i1 to i32
      %cond3A = arith.constant 0 : i32
      %cond3A_54 = arith.cmpi ne, %convert_element_type3A, %cond3A : i32
      scf.if %cond3A_54 {
        %add3A_76 = arith.constant 1 : i32
        %add3A_77 = arith.addi %scan3A_42, %add3A_76 : i32
        %lt3A_78 = arith.constant 80 : i32
        %lt3A_79 = arith.cmpi slt, %add3A_77, %lt3A_78 : i32
        %convert_element_type3A_80 = arith.extui %lt3A_79 : i1 to i32
        %cond3A_81 = arith.constant 0 : i32
        %cond3A_82 = arith.cmpi ne, %convert_element_type3A_80, %cond3A_81 : i32
        scf.if %cond3A_82 {
          %add3A_106 = arith.constant 1 : i32
          %add3A_107 = arith.addi %scan3A_42, %add3A_106 : i32
          %mul3A_108 = arith.constant 128 : i32
          %mul3A_109 = arith.muli %add3A_107, %mul3A_108 : i32
          %add3A_110 = arith.addi %mul3A_2, %mul3A_109 : i32
          %dma_wait3A_111 = tpu.memref_slice %arg3[%add3A_110] : memref<327680xi32, #tpu.memory_space<hbm>> -> memref<128xi32, #tpu.memory_space<hbm>>
          %dma_wait3A_112 = tpu.memref_slice %arg3[%add3A_110] : memref<327680xi32, #tpu.memory_space<hbm>> -> memref<128xi32, #tpu.memory_space<hbm>>
          tpu.wait_dma2 semaphore(%arg17 : memref<!tpu.dma_semaphore, #tpu.memory_space<semaphore_mem>>) src(%dma_wait3A_112 : memref<128xi32, #tpu.memory_space<hbm>>) dst(%arg12 : memref<128xi32, #tpu.memory_space<vmem>>)
        } else {
        }
        %dma_wait3A_83 = arith.constant 0 : i32
        %dma_wait3A_84 = arith.constant 0 : i32
        %dma_wait3A_85 = tpu.memref_slice %arg2[%dma_wait3A_83, %dma_wait3A_84] : memref<10240x128xf32, #tpu.memory_space<hbm>> -> memref<10240x128xf32, #tpu.memory_space<hbm>>
        tpu.wait_indirect_dma semaphore(%arg18 : memref<!tpu.dma_semaphore, #tpu.memory_space<semaphore_mem>>) src(%dma_wait3A_85 : memref<10240x128xf32, #tpu.memory_space<hbm>>) dst(%arg13 : memref<128x128xf32, #tpu.memory_space<vmem>>)
        %add3A_86 = arith.constant 1 : i32
        %add3A_87 = arith.addi %scan3A_42, %add3A_86 : i32
        %lt3A_88 = arith.constant 80 : i32
        %lt3A_89 = arith.cmpi slt, %add3A_87, %lt3A_88 : i32
        %convert_element_type3A_90 = arith.extui %lt3A_89 : i1 to i32
        %cond3A_91 = arith.constant 0 : i32
        %cond3A_92 = arith.cmpi ne, %convert_element_type3A_90, %cond3A_91 : i32
        scf.if %cond3A_92 {
          %ge3A = arith.constant 1 : i32
          %ge3A_106 = arith.cmpi sge, %scan3A_42, %ge3A : i32
          %convert_element_type3A_107 = arith.extui %ge3A_106 : i1 to i32
          %cond3A_108 = arith.constant 0 : i32
          %cond3A_109 = arith.cmpi ne, %convert_element_type3A_107, %cond3A_108 : i32
          scf.if %cond3A_109 {
            %sub3A = arith.constant 1 : i32
            %sub3A_113 = arith.subi %scan3A_42, %sub3A : i32
            %dma_wait3A_114 = arith.constant 0 : i32
            %dma_wait3A_115 = tpu.memref_slice %arg10[%sub3A_113, %dma_wait3A_114] : memref<80x128xi32, #tpu.memory_space<vmem>> -> memref<1x128xi32, #tpu.memory_space<vmem>>
            %dma_wait3A_116 = tpu.memref_squeeze %dma_wait3A_115 : memref<1x128xi32, #tpu.memory_space<vmem>> -> memref<128xi32, #tpu.memory_space<vmem>>
            %dma_wait3A_117 = arith.constant 0 : i32
            %dma_wait3A_118 = arith.constant 0 : i32
            %dma_wait3A_119 = tpu.memref_slice %arg15[%dma_wait3A_117, %dma_wait3A_118] : memref<10240x128xf32, #tpu.memory_space<vmem_shared>> -> memref<10240x128xf32, #tpu.memory_space<vmem_shared>>
            tpu.wait_indirect_dma semaphore(%arg21 : memref<!tpu.dma_semaphore, #tpu.memory_space<semaphore_mem>>) src(%arg14 : memref<128x128xf32, #tpu.memory_space<vmem>>) dst(%dma_wait3A_119 : memref<10240x128xf32, #tpu.memory_space<vmem_shared>>)
          } else {
          }
          %dma_start3A_110 = arith.constant 0 : i32
          %dma_start3A_111 = arith.constant 0 : i32
          %dma_start3A_112 = tpu.memref_slice %arg2[%dma_start3A_110, %dma_start3A_111] : memref<10240x128xf32, #tpu.memory_space<hbm>> -> memref<10240x128xf32, #tpu.memory_space<hbm>>
          tpu.enqueue_indirect_dma source(%dma_start3A_112 : memref<10240x128xf32, #tpu.memory_space<hbm>>) target(%arg14 : memref<128x128xf32, #tpu.memory_space<vmem>>) offsets(%arg12 : memref<128xi32, #tpu.memory_space<vmem>>) semaphore(%arg19 : memref<!tpu.dma_semaphore, #tpu.memory_space<semaphore_mem>>)
        } else {
        }
        %add3A_93 = arith.constant 2 : i32
        %add3A_94 = arith.addi %scan3A_42, %add3A_93 : i32
        %lt3A_95 = arith.constant 80 : i32
        %lt3A_96 = arith.cmpi slt, %add3A_94, %lt3A_95 : i32
        %convert_element_type3A_97 = arith.extui %lt3A_96 : i1 to i32
        %cond3A_98 = arith.constant 0 : i32
        %cond3A_99 = arith.cmpi ne, %convert_element_type3A_97, %cond3A_98 : i32
        scf.if %cond3A_99 {
          %add3A_106 = arith.constant 2 : i32
          %add3A_107 = arith.addi %scan3A_42, %add3A_106 : i32
          %mul3A_108 = arith.constant 128 : i32
          %mul3A_109 = arith.muli %add3A_107, %mul3A_108 : i32
          %add3A_110 = arith.addi %mul3A_2, %mul3A_109 : i32
          %dma_start3A_111 = tpu.memref_slice %arg3[%add3A_110] : memref<327680xi32, #tpu.memory_space<hbm>> -> memref<128xi32, #tpu.memory_space<hbm>>
          %dma_start3A_112 = tpu.memref_slice %arg3[%add3A_110] : memref<327680xi32, #tpu.memory_space<hbm>> -> memref<128xi32, #tpu.memory_space<hbm>>
          tpu.enqueue_dma source(%dma_start3A_112 : memref<128xi32, #tpu.memory_space<hbm>>) target(%arg11 : memref<128xi32, #tpu.memory_space<vmem>>) target_semaphore(%arg16 : memref<!tpu.dma_semaphore, #tpu.memory_space<semaphore_mem>>)
        } else {
        }
        %dma_start3A_100 = arith.constant 0 : i32
        %dma_start3A_101 = tpu.memref_slice %arg10[%scan3A_42, %dma_start3A_100] : memref<80x128xi32, #tpu.memory_space<vmem>> -> memref<1x128xi32, #tpu.memory_space<vmem>>
        %dma_start3A_102 = tpu.memref_squeeze %dma_start3A_101 : memref<1x128xi32, #tpu.memory_space<vmem>> -> memref<128xi32, #tpu.memory_space<vmem>>
        %dma_start3A_103 = arith.constant 0 : i32
        %dma_start3A_104 = arith.constant 0 : i32
        %dma_start3A_105 = tpu.memref_slice %arg15[%dma_start3A_103, %dma_start3A_104] : memref<10240x128xf32, #tpu.memory_space<vmem_shared>> -> memref<10240x128xf32, #tpu.memory_space<vmem_shared>>
        tpu.enqueue_indirect_dma source(%arg13 : memref<128x128xf32, #tpu.memory_space<vmem>>) target(%dma_start3A_105 : memref<10240x128xf32, #tpu.memory_space<vmem_shared>>) offsets(%dma_start3A_102 : memref<128xi32, #tpu.memory_space<vmem>>) semaphore(%arg20 : memref<!tpu.dma_semaphore, #tpu.memory_space<semaphore_mem>>) {add = true}
        "tpu.region"() ({
          %run_scoped3A = tpu.sem_alloc : memref<!tpu.dma_semaphore, #tpu.memory_space<semaphore_mem>>
          %dma_start3A_106 = arith.constant 0 : i32
          %dma_start3A_107 = tpu.memref_slice %arg10[%scan3A_42, %dma_start3A_106] : memref<80x128xi32, #tpu.memory_space<vmem>> -> memref<1x128xi32, #tpu.memory_space<vmem>>
          %dma_start3A_108 = tpu.memref_squeeze %dma_start3A_107 : memref<1x128xi32, #tpu.memory_space<vmem>> -> memref<128xi32, #tpu.memory_space<vmem>>
          %dma_start3A_109 = arith.constant 0 : i32
          %dma_start3A_110 = tpu.memref_slice %arg23[%dma_start3A_109] : memref<10240xf32, #tpu.memory_space<vmem_shared>> -> memref<10240xf32, #tpu.memory_space<vmem_shared>>
          tpu.enqueue_indirect_dma source(%arg22 : memref<128xf32, #tpu.memory_space<vmem>>) target(%dma_start3A_110 : memref<10240xf32, #tpu.memory_space<vmem_shared>>) offsets(%dma_start3A_108 : memref<128xi32, #tpu.memory_space<vmem>>) semaphore(%run_scoped3A : memref<!tpu.dma_semaphore, #tpu.memory_space<semaphore_mem>>) {add = true}
          %dma_wait3A_111 = arith.constant 0 : i32
          %dma_wait3A_112 = tpu.memref_slice %arg10[%scan3A_42, %dma_wait3A_111] : memref<80x128xi32, #tpu.memory_space<vmem>> -> memref<1x128xi32, #tpu.memory_space<vmem>>
          %dma_wait3A_113 = tpu.memref_squeeze %dma_wait3A_112 : memref<1x128xi32, #tpu.memory_space<vmem>> -> memref<128xi32, #tpu.memory_space<vmem>>
          %dma_wait3A_114 = arith.constant 0 : i32
          %dma_wait3A_115 = tpu.memref_slice %arg23[%dma_wait3A_114] : memref<10240xf32, #tpu.memory_space<vmem_shared>> -> memref<10240xf32, #tpu.memory_space<vmem_shared>>
          tpu.wait_indirect_dma semaphore(%run_scoped3A : memref<!tpu.dma_semaphore, #tpu.memory_space<semaphore_mem>>) src(%arg22 : memref<128xf32, #tpu.memory_space<vmem>>) dst(%dma_wait3A_115 : memref<10240xf32, #tpu.memory_space<vmem_shared>>)
          tpu.yield
        }) : () -> ()
      } else {
      }
      %jit3A_55 = arith.constant 2 : i32
      %eq3A_56 = arith.constant 0 : i32
      %eq3A_57 = arith.cmpi eq, %jit3A_55, %eq3A_56 : i32
      %jit3A_58 = arith.constant 1 : i32
      %select_n3A_59 = arith.select %eq3A_57, %jit3A_58, %jit3A_55 : i32
      %rem3A_60 = arith.remsi %scan3A_42, %select_n3A_59 : i32
      %ne3A_61 = arith.constant 0 : i32
      %ne3A_62 = arith.cmpi ne, %rem3A_60, %ne3A_61 : i32
      %lt3A_63 = arith.constant 0 : i32
      %lt3A_64 = arith.cmpi slt, %rem3A_60, %lt3A_63 : i32
      %lt3A_65 = arith.constant 0 : i32
      %lt3A_66 = arith.cmpi slt, %select_n3A_59, %lt3A_65 : i32
      %ne3A_67 = arith.xori %lt3A_64, %lt3A_66 : i1
      %and3A_68 = arith.andi %ne3A_67, %ne3A_62 : i1
      %add3A_69 = arith.addi %rem3A_60, %select_n3A_59 : i32
      %select_n3A_70 = arith.select %and3A_68, %add3A_69, %rem3A_60 : i32
      %eq3A_71 = arith.constant 1 : i32
      %eq3A_72 = arith.cmpi eq, %select_n3A_70, %eq3A_71 : i32
      %convert_element_type3A_73 = arith.extui %eq3A_72 : i1 to i32
      %cond3A_74 = arith.constant 0 : i32
      %cond3A_75 = arith.cmpi ne, %convert_element_type3A_73, %cond3A_74 : i32
      scf.if %cond3A_75 {
        %add3A_76 = arith.constant 1 : i32
        %add3A_77 = arith.addi %scan3A_42, %add3A_76 : i32
        %lt3A_78 = arith.constant 80 : i32
        %lt3A_79 = arith.cmpi slt, %add3A_77, %lt3A_78 : i32
        %convert_element_type3A_80 = arith.extui %lt3A_79 : i1 to i32
        %cond3A_81 = arith.constant 0 : i32
        %cond3A_82 = arith.cmpi ne, %convert_element_type3A_80, %cond3A_81 : i32
        scf.if %cond3A_82 {
          %add3A_106 = arith.constant 1 : i32
          %add3A_107 = arith.addi %scan3A_42, %add3A_106 : i32
          %mul3A_108 = arith.constant 128 : i32
          %mul3A_109 = arith.muli %add3A_107, %mul3A_108 : i32
          %add3A_110 = arith.addi %mul3A_2, %mul3A_109 : i32
          %dma_wait3A_111 = tpu.memref_slice %arg3[%add3A_110] : memref<327680xi32, #tpu.memory_space<hbm>> -> memref<128xi32, #tpu.memory_space<hbm>>
          %dma_wait3A_112 = tpu.memref_slice %arg3[%add3A_110] : memref<327680xi32, #tpu.memory_space<hbm>> -> memref<128xi32, #tpu.memory_space<hbm>>
          tpu.wait_dma2 semaphore(%arg16 : memref<!tpu.dma_semaphore, #tpu.memory_space<semaphore_mem>>) src(%dma_wait3A_112 : memref<128xi32, #tpu.memory_space<hbm>>) dst(%arg11 : memref<128xi32, #tpu.memory_space<vmem>>)
        } else {
        }
        %dma_wait3A_83 = arith.constant 0 : i32
        %dma_wait3A_84 = arith.constant 0 : i32
        %dma_wait3A_85 = tpu.memref_slice %arg2[%dma_wait3A_83, %dma_wait3A_84] : memref<10240x128xf32, #tpu.memory_space<hbm>> -> memref<10240x128xf32, #tpu.memory_space<hbm>>
        tpu.wait_indirect_dma semaphore(%arg19 : memref<!tpu.dma_semaphore, #tpu.memory_space<semaphore_mem>>) src(%dma_wait3A_85 : memref<10240x128xf32, #tpu.memory_space<hbm>>) dst(%arg14 : memref<128x128xf32, #tpu.memory_space<vmem>>)
        %add3A_86 = arith.constant 1 : i32
        %add3A_87 = arith.addi %scan3A_42, %add3A_86 : i32
        %lt3A_88 = arith.constant 80 : i32
        %lt3A_89 = arith.cmpi slt, %add3A_87, %lt3A_88 : i32
        %convert_element_type3A_90 = arith.extui %lt3A_89 : i1 to i32
        %cond3A_91 = arith.constant 0 : i32
        %cond3A_92 = arith.cmpi ne, %convert_element_type3A_90, %cond3A_91 : i32
        scf.if %cond3A_92 {
          %ge3A = arith.constant 1 : i32
          %ge3A_106 = arith.cmpi sge, %scan3A_42, %ge3A : i32
          %convert_element_type3A_107 = arith.extui %ge3A_106 : i1 to i32
          %cond3A_108 = arith.constant 0 : i32
          %cond3A_109 = arith.cmpi ne, %convert_element_type3A_107, %cond3A_108 : i32
          scf.if %cond3A_109 {
            %sub3A = arith.constant 1 : i32
            %sub3A_113 = arith.subi %scan3A_42, %sub3A : i32
            %dma_wait3A_114 = arith.constant 0 : i32
            %dma_wait3A_115 = tpu.memref_slice %arg10[%sub3A_113, %dma_wait3A_114] : memref<80x128xi32, #tpu.memory_space<vmem>> -> memref<1x128xi32, #tpu.memory_space<vmem>>
            %dma_wait3A_116 = tpu.memref_squeeze %dma_wait3A_115 : memref<1x128xi32, #tpu.memory_space<vmem>> -> memref<128xi32, #tpu.memory_space<vmem>>
            %dma_wait3A_117 = arith.constant 0 : i32
            %dma_wait3A_118 = arith.constant 0 : i32
            %dma_wait3A_119 = tpu.memref_slice %arg15[%dma_wait3A_117, %dma_wait3A_118] : memref<10240x128xf32, #tpu.memory_space<vmem_shared>> -> memref<10240x128xf32, #tpu.memory_space<vmem_shared>>
            tpu.wait_indirect_dma semaphore(%arg20 : memref<!tpu.dma_semaphore, #tpu.memory_space<semaphore_mem>>) src(%arg13 : memref<128x128xf32, #tpu.memory_space<vmem>>) dst(%dma_wait3A_119 : memref<10240x128xf32, #tpu.memory_space<vmem_shared>>)
          } else {
          }
          %dma_start3A_110 = arith.constant 0 : i32
          %dma_start3A_111 = arith.constant 0 : i32
          %dma_start3A_112 = tpu.memref_slice %arg2[%dma_start3A_110, %dma_start3A_111] : memref<10240x128xf32, #tpu.memory_space<hbm>> -> memref<10240x128xf32, #tpu.memory_space<hbm>>
          tpu.enqueue_indirect_dma source(%dma_start3A_112 : memref<10240x128xf32, #tpu.memory_space<hbm>>) target(%arg13 : memref<128x128xf32, #tpu.memory_space<vmem>>) offsets(%arg11 : memref<128xi32, #tpu.memory_space<vmem>>) semaphore(%arg18 : memref<!tpu.dma_semaphore, #tpu.memory_space<semaphore_mem>>)
        } else {
        }
        %add3A_93 = arith.constant 2 : i32
        %add3A_94 = arith.addi %scan3A_42, %add3A_93 : i32
        %lt3A_95 = arith.constant 80 : i32
        %lt3A_96 = arith.cmpi slt, %add3A_94, %lt3A_95 : i32
        %convert_element_type3A_97 = arith.extui %lt3A_96 : i1 to i32
        %cond3A_98 = arith.constant 0 : i32
        %cond3A_99 = arith.cmpi ne, %convert_element_type3A_97, %cond3A_98 : i32
        scf.if %cond3A_99 {
          %add3A_106 = arith.constant 2 : i32
          %add3A_107 = arith.addi %scan3A_42, %add3A_106 : i32
          %mul3A_108 = arith.constant 128 : i32
          %mul3A_109 = arith.muli %add3A_107, %mul3A_108 : i32
          %add3A_110 = arith.addi %mul3A_2, %mul3A_109 : i32
          %dma_start3A_111 = tpu.memref_slice %arg3[%add3A_110] : memref<327680xi32, #tpu.memory_space<hbm>> -> memref<128xi32, #tpu.memory_space<hbm>>
          %dma_start3A_112 = tpu.memref_slice %arg3[%add3A_110] : memref<327680xi32, #tpu.memory_space<hbm>> -> memref<128xi32, #tpu.memory_space<hbm>>
          tpu.enqueue_dma source(%dma_start3A_112 : memref<128xi32, #tpu.memory_space<hbm>>) target(%arg12 : memref<128xi32, #tpu.memory_space<vmem>>) target_semaphore(%arg17 : memref<!tpu.dma_semaphore, #tpu.memory_space<semaphore_mem>>)
        } else {
        }
        %dma_start3A_100 = arith.constant 0 : i32
        %dma_start3A_101 = tpu.memref_slice %arg10[%scan3A_42, %dma_start3A_100] : memref<80x128xi32, #tpu.memory_space<vmem>> -> memref<1x128xi32, #tpu.memory_space<vmem>>
        %dma_start3A_102 = tpu.memref_squeeze %dma_start3A_101 : memref<1x128xi32, #tpu.memory_space<vmem>> -> memref<128xi32, #tpu.memory_space<vmem>>
        %dma_start3A_103 = arith.constant 0 : i32
        %dma_start3A_104 = arith.constant 0 : i32
        %dma_start3A_105 = tpu.memref_slice %arg15[%dma_start3A_103, %dma_start3A_104] : memref<10240x128xf32, #tpu.memory_space<vmem_shared>> -> memref<10240x128xf32, #tpu.memory_space<vmem_shared>>
        tpu.enqueue_indirect_dma source(%arg14 : memref<128x128xf32, #tpu.memory_space<vmem>>) target(%dma_start3A_105 : memref<10240x128xf32, #tpu.memory_space<vmem_shared>>) offsets(%dma_start3A_102 : memref<128xi32, #tpu.memory_space<vmem>>) semaphore(%arg21 : memref<!tpu.dma_semaphore, #tpu.memory_space<semaphore_mem>>) {add = true}
        "tpu.region"() ({
          %run_scoped3A = tpu.sem_alloc : memref<!tpu.dma_semaphore, #tpu.memory_space<semaphore_mem>>
          %dma_start3A_106 = arith.constant 0 : i32
          %dma_start3A_107 = tpu.memref_slice %arg10[%scan3A_42, %dma_start3A_106] : memref<80x128xi32, #tpu.memory_space<vmem>> -> memref<1x128xi32, #tpu.memory_space<vmem>>
          %dma_start3A_108 = tpu.memref_squeeze %dma_start3A_107 : memref<1x128xi32, #tpu.memory_space<vmem>> -> memref<128xi32, #tpu.memory_space<vmem>>
          %dma_start3A_109 = arith.constant 0 : i32
          %dma_start3A_110 = tpu.memref_slice %arg23[%dma_start3A_109] : memref<10240xf32, #tpu.memory_space<vmem_shared>> -> memref<10240xf32, #tpu.memory_space<vmem_shared>>
          tpu.enqueue_indirect_dma source(%arg22 : memref<128xf32, #tpu.memory_space<vmem>>) target(%dma_start3A_110 : memref<10240xf32, #tpu.memory_space<vmem_shared>>) offsets(%dma_start3A_108 : memref<128xi32, #tpu.memory_space<vmem>>) semaphore(%run_scoped3A : memref<!tpu.dma_semaphore, #tpu.memory_space<semaphore_mem>>) {add = true}
          %dma_wait3A_111 = arith.constant 0 : i32
          %dma_wait3A_112 = tpu.memref_slice %arg10[%scan3A_42, %dma_wait3A_111] : memref<80x128xi32, #tpu.memory_space<vmem>> -> memref<1x128xi32, #tpu.memory_space<vmem>>
          %dma_wait3A_113 = tpu.memref_squeeze %dma_wait3A_112 : memref<1x128xi32, #tpu.memory_space<vmem>> -> memref<128xi32, #tpu.memory_space<vmem>>
          %dma_wait3A_114 = arith.constant 0 : i32
          %dma_wait3A_115 = tpu.memref_slice %arg23[%dma_wait3A_114] : memref<10240xf32, #tpu.memory_space<vmem_shared>> -> memref<10240xf32, #tpu.memory_space<vmem_shared>>
          tpu.wait_indirect_dma semaphore(%run_scoped3A : memref<!tpu.dma_semaphore, #tpu.memory_space<semaphore_mem>>) src(%arg22 : memref<128xf32, #tpu.memory_space<vmem>>) dst(%dma_wait3A_115 : memref<10240xf32, #tpu.memory_space<vmem_shared>>)
          tpu.yield
        }) : () -> ()
      } else {
      }
    }
    %scan3A_19 = arith.constant 80 : i32
    %dma_wait3A = arith.constant 78 : i32
    %dma_wait3A_20 = arith.constant 0 : i32
    %dma_wait3A_21 = tpu.memref_slice %arg10[%dma_wait3A, %dma_wait3A_20] : memref<80x128xi32, #tpu.memory_space<vmem>> -> memref<1x128xi32, #tpu.memory_space<vmem>>
    %dma_wait3A_22 = tpu.memref_squeeze %dma_wait3A_21 : memref<1x128xi32, #tpu.memory_space<vmem>> -> memref<128xi32, #tpu.memory_space<vmem>>
    %dma_wait3A_23 = arith.constant 0 : i32
    %dma_wait3A_24 = arith.constant 0 : i32
    %dma_wait3A_25 = tpu.memref_slice %arg15[%dma_wait3A_23, %dma_wait3A_24] : memref<10240x128xf32, #tpu.memory_space<vmem_shared>> -> memref<10240x128xf32, #tpu.memory_space<vmem_shared>>
    tpu.wait_indirect_dma semaphore(%arg20 : memref<!tpu.dma_semaphore, #tpu.memory_space<semaphore_mem>>) src(%arg13 : memref<128x128xf32, #tpu.memory_space<vmem>>) dst(%dma_wait3A_25 : memref<10240x128xf32, #tpu.memory_space<vmem_shared>>)
    %dma_wait3A_26 = arith.constant 79 : i32
    %dma_wait3A_27 = arith.constant 0 : i32
    %dma_wait3A_28 = tpu.memref_slice %arg10[%dma_wait3A_26, %dma_wait3A_27] : memref<80x128xi32, #tpu.memory_space<vmem>> -> memref<1x128xi32, #tpu.memory_space<vmem>>
    %dma_wait3A_29 = tpu.memref_squeeze %dma_wait3A_28 : memref<1x128xi32, #tpu.memory_space<vmem>> -> memref<128xi32, #tpu.memory_space<vmem>>
    %dma_wait3A_30 = arith.constant 0 : i32
    %dma_wait3A_31 = arith.constant 0 : i32
    %dma_wait3A_32 = tpu.memref_slice %arg15[%dma_wait3A_30, %dma_wait3A_31] : memref<10240x128xf32, #tpu.memory_space<vmem_shared>> -> memref<10240x128xf32, #tpu.memory_space<vmem_shared>>
    tpu.wait_indirect_dma semaphore(%arg21 : memref<!tpu.dma_semaphore, #tpu.memory_space<semaphore_mem>>) src(%arg14 : memref<128x128xf32, #tpu.memory_space<vmem>>) dst(%dma_wait3A_32 : memref<10240x128xf32, #tpu.memory_space<vmem_shared>>)
    %barrier3A_33 = arith.constant 0 : index
    tpu.barrier barrier_id(%barrier3A_33)
    %mul3A_34 = arith.constant 640 : i32
    %mul3A_35 = arith.muli %arg1, %mul3A_34 : i32
    %mul3A_36 = arith.constant 640 : i32
    %mul3A_37 = arith.muli %arg1, %mul3A_36 : i32
    "tpu.region"() ({
      %run_scoped3A = tpu.sem_alloc : memref<!tpu.dma_semaphore, #tpu.memory_space<semaphore_mem>>
      %dma_start3A_42 = arith.constant 0 : i32
      %dma_start3A_43 = tpu.memref_slice %arg8[%arg0, %mul3A_37, %dma_start3A_42] : memref<2x10240x128xf32, #tpu.memory_space<hbm>> -> memref<1x640x128xf32, #tpu.memory_space<hbm>>
      %dma_start3A_44 = tpu.memref_squeeze %dma_start3A_43 : memref<1x640x128xf32, #tpu.memory_space<hbm>> -> memref<640x128xf32, #tpu.memory_space<hbm>>
      %dma_start3A_45 = arith.constant 0 : i32
      %dma_start3A_46 = tpu.memref_slice %arg15[%mul3A_35, %dma_start3A_45] : memref<10240x128xf32, #tpu.memory_space<vmem_shared>> -> memref<640x128xf32, #tpu.memory_space<vmem_shared>>
      tpu.enqueue_dma source(%dma_start3A_46 : memref<640x128xf32, #tpu.memory_space<vmem_shared>>) target(%dma_start3A_44 : memref<640x128xf32, #tpu.memory_space<hbm>>) target_semaphore(%run_scoped3A : memref<!tpu.dma_semaphore, #tpu.memory_space<semaphore_mem>>)
      %dma_wait3A_47 = arith.constant 0 : i32
      %dma_wait3A_48 = tpu.memref_slice %arg8[%arg0, %mul3A_37, %dma_wait3A_47] : memref<2x10240x128xf32, #tpu.memory_space<hbm>> -> memref<1x640x128xf32, #tpu.memory_space<hbm>>
      %dma_wait3A_49 = tpu.memref_squeeze %dma_wait3A_48 : memref<1x640x128xf32, #tpu.memory_space<hbm>> -> memref<640x128xf32, #tpu.memory_space<hbm>>
      %dma_wait3A_50 = arith.constant 0 : i32
      %dma_wait3A_51 = tpu.memref_slice %arg15[%mul3A_35, %dma_wait3A_50] : memref<10240x128xf32, #tpu.memory_space<vmem_shared>> -> memref<640x128xf32, #tpu.memory_space<vmem_shared>>
      tpu.wait_dma2 semaphore(%run_scoped3A : memref<!tpu.dma_semaphore, #tpu.memory_space<semaphore_mem>>) src(%dma_wait3A_51 : memref<640x128xf32, #tpu.memory_space<vmem_shared>>) dst(%dma_wait3A_49 : memref<640x128xf32, #tpu.memory_space<hbm>>)
      tpu.yield
    }) : () -> ()
    %mul3A_38 = arith.constant 640 : i32
    %mul3A_39 = arith.muli %arg1, %mul3A_38 : i32
    %mul3A_40 = arith.constant 640 : i32
    %mul3A_41 = arith.muli %arg1, %mul3A_40 : i32
    "tpu.region"() ({
      %run_scoped3A = tpu.sem_alloc : memref<!tpu.dma_semaphore, #tpu.memory_space<semaphore_mem>>
      %dma_start3A_42 = tpu.memref_slice %arg9[%arg0, %mul3A_41] : memref<2x10240xf32, #tpu.memory_space<hbm>> -> memref<1x640xf32, #tpu.memory_space<hbm>>
      %dma_start3A_43 = tpu.memref_squeeze %dma_start3A_42 : memref<1x640xf32, #tpu.memory_space<hbm>> -> memref<640xf32, #tpu.memory_space<hbm>>
      %dma_start3A_44 = tpu.memref_slice %arg23[%mul3A_39] : memref<10240xf32, #tpu.memory_space<vmem_shared>> -> memref<640xf32, #tpu.memory_space<vmem_shared>>
      tpu.enqueue_dma source(%dma_start3A_44 : memref<640xf32, #tpu.memory_space<vmem_shared>>) target(%dma_start3A_43 : memref<640xf32, #tpu.memory_space<hbm>>) target_semaphore(%run_scoped3A : memref<!tpu.dma_semaphore, #tpu.memory_space<semaphore_mem>>)
      %dma_wait3A_45 = tpu.memref_slice %arg9[%arg0, %mul3A_41] : memref<2x10240xf32, #tpu.memory_space<hbm>> -> memref<1x640xf32, #tpu.memory_space<hbm>>
      %dma_wait3A_46 = tpu.memref_squeeze %dma_wait3A_45 : memref<1x640xf32, #tpu.memory_space<hbm>> -> memref<640xf32, #tpu.memory_space<hbm>>
      %dma_wait3A_47 = tpu.memref_slice %arg23[%mul3A_39] : memref<10240xf32, #tpu.memory_space<vmem_shared>> -> memref<640xf32, #tpu.memory_space<vmem_shared>>
      tpu.wait_dma2 semaphore(%run_scoped3A : memref<!tpu.dma_semaphore, #tpu.memory_space<semaphore_mem>>) src(%dma_wait3A_47 : memref<640xf32, #tpu.memory_space<vmem_shared>>) dst(%dma_wait3A_46 : memref<640xf32, #tpu.memory_space<hbm>>)
      tpu.yield
    }) : () -> ()
    return
  }
}

module attributes {stable_mosaic.version = 14 : i64} {
  func.func @tc_h1(%arg0: i32, %arg1: memref<2x1024x128xf32, #tpu.memory_space<vmem>>, %arg2: memref<2x1024xf32, #tpu.memory_space<vmem>>, %arg3: memref<1024x128xf32, #tpu.memory_space<vmem>>, %arg4: memref<128x128xf32, #tpu.memory_space<vmem>>, %arg5: memref<1x128xf32, #tpu.memory_space<vmem>>, %arg6: memref<128x128xf32, #tpu.memory_space<vmem>>, %arg7: memref<1024x128xf32, #tpu.memory_space<vmem>>) attributes {dimension_semantics = [#tpu.dimension_semantics<arbitrary>], iteration_bounds = array<i64: 10>, scalar_prefetch = 0 : i64, scratch_operands = 0 : i64, tpu.core_type = #tpu.core_type<tc>, window_params = [{transform_indices = @transform_0, window_bounds = array<i64: 2, 1024, 128>}, {transform_indices = @transform_1, window_bounds = array<i64: 2, 1024>}, {transform_indices = @transform_2, window_bounds = array<i64: 1024, 128>}, {pipeline_mode = #tpu.pipeline_mode<synchronous>, transform_indices = @transform_3, window_bounds = array<i64: 128, 128>}, {pipeline_mode = #tpu.pipeline_mode<synchronous>, transform_indices = @transform_4, window_bounds = array<i64: 1, 128>}, {pipeline_mode = #tpu.pipeline_mode<synchronous>, transform_indices = @transform_5, window_bounds = array<i64: 128, 128>}, {transform_indices = @transform_6, window_bounds = array<i64: 1024, 128>}]} {
    %get3A = arith.constant 0 : index
    %get3A_0 = arith.constant 0 : index
    %get3A_1 = vector.load %arg2[%get3A, %get3A_0] : memref<2x1024xf32, #tpu.memory_space<vmem>>, vector<2x1024xf32>
    %slice3A = vector.extract_strided_slice %get3A_1 {offsets = [0, 0], sizes = [1, 1024], strides = [1, 1]} : vector<2x1024xf32> to vector<1x1024xf32>
    %squeeze3A = vector.shape_cast %slice3A : vector<1x1024xf32> to vector<1024xf32>
    %slice3A_2 = vector.extract_strided_slice %get3A_1 {offsets = [1, 0], sizes = [1, 1024], strides = [1, 1]} : vector<2x1024xf32> to vector<1x1024xf32>
    %squeeze3A_3 = vector.shape_cast %slice3A_2 : vector<1x1024xf32> to vector<1024xf32>
    %add3A = arith.addf %squeeze3A, %squeeze3A_3 : vector<1024xf32>
    %broadcast_in_dim3A = vector.shape_cast %add3A : vector<1024xf32> to vector<1024x1xf32>
    %max3A = arith.constant 1.000000e+00 : f32
    %max3A_4 = vector.broadcast %max3A : f32 to vector<1024x1xf32>
    %max3A_5 = arith.maximumf %broadcast_in_dim3A, %max3A_4 : vector<1024x1xf32>
    %div3A = arith.constant 1.000000e+00 : f32
    %div3A_6 = vector.broadcast %div3A : f32 to vector<1024x1xf32>
    %div3A_7 = arith.divf %div3A_6, %max3A_5 : vector<1024x1xf32>
    %get3A_8 = arith.constant 0 : index
    %get3A_9 = arith.constant 0 : index
    %get3A_10 = arith.constant 0 : index
    %get3A_11 = vector.load %arg1[%get3A_8, %get3A_9, %get3A_10] : memref<2x1024x128xf32, #tpu.memory_space<vmem>>, vector<1x1024x128xf32>
    %get3A_12 = vector.shape_cast %get3A_11 : vector<1x1024x128xf32> to vector<1024x128xf32>
    %get3A_13 = arith.constant 1 : index
    %get3A_14 = arith.constant 0 : index
    %get3A_15 = arith.constant 0 : index
    %get3A_16 = vector.load %arg1[%get3A_13, %get3A_14, %get3A_15] : memref<2x1024x128xf32, #tpu.memory_space<vmem>>, vector<1x1024x128xf32>
    %get3A_17 = vector.shape_cast %get3A_16 : vector<1x1024x128xf32> to vector<1024x128xf32>
    %add3A_18 = arith.addf %get3A_12, %get3A_17 : vector<1024x128xf32>
    %mul3A = vector.broadcast %div3A_7 : vector<1024x1xf32> to vector<1024x128xf32>
    %mul3A_19 = arith.mulf %add3A_18, %mul3A : vector<1024x128xf32>
    %get3A_20 = arith.constant 0 : index
    %get3A_21 = arith.constant 0 : index
    %get3A_22 = vector.load %arg4[%get3A_20, %get3A_21] : memref<128x128xf32, #tpu.memory_space<vmem>>, vector<128x128xf32>
    %dot_general3A = arith.constant dense<0.000000e+00> : vector<1024x128xf32>
    %dot_general3A_23 = tpu.matmul %mul3A_19, %get3A_22, %dot_general3A {dimension_numbers = #tpu.dot_dimension_numbers<[1], [1], [0], [0], [0, 0, 1, 0], [], []>, transpose_lhs_hint = false} : vector<1024x128xf32>, vector<128x128xf32>, vector<1024x128xf32> -> vector<1024x128xf32>
    %get3A_24 = arith.constant 0 : index
    %get3A_25 = arith.constant 0 : index
    %get3A_26 = vector.load %arg5[%get3A_24, %get3A_25] : memref<1x128xf32, #tpu.memory_space<vmem>>, vector<1x128xf32>
    %add3A_27 = vector.broadcast %get3A_26 : vector<1x128xf32> to vector<1024x128xf32>
    %add3A_28 = arith.addf %dot_general3A_23, %add3A_27 : vector<1024x128xf32>
    %get3A_29 = arith.constant 0 : index
    %get3A_30 = arith.constant 0 : index
    %get3A_31 = vector.load %arg3[%get3A_29, %get3A_30] : memref<1024x128xf32, #tpu.memory_space<vmem>>, vector<1024x128xf32>
    %get3A_32 = arith.constant 0 : index
    %get3A_33 = arith.constant 0 : index
    %get3A_34 = vector.load %arg6[%get3A_32, %get3A_33] : memref<128x128xf32, #tpu.memory_space<vmem>>, vector<128x128xf32>
    %dot_general3A_35 = arith.constant dense<0.000000e+00> : vector<1024x128xf32>
    %dot_general3A_36 = tpu.matmul %get3A_31, %get3A_34, %dot_general3A_35 {dimension_numbers = #tpu.dot_dimension_numbers<[1], [1], [0], [0], [0, 0, 1, 0], [], []>, transpose_lhs_hint = false} : vector<1024x128xf32>, vector<128x128xf32>, vector<1024x128xf32> -> vector<1024x128xf32>
    %add3A_37 = arith.addf %add3A_28, %dot_general3A_36 : vector<1024x128xf32>
    %max3A_38 = arith.constant 0.000000e+00 : f32
    %max3A_39 = vector.broadcast %max3A_38 : f32 to vector<1024x128xf32>
    %max3A_40 = arith.maximumf %add3A_37, %max3A_39 : vector<1024x128xf32>
    %mul3A_41 = arith.constant 1024 : i32
    %mul3A_42 = arith.muli %arg0, %mul3A_41 : i32
    %iota3A = tpu.iota {dimensions = array<i32: 0>} : vector<1024x1xi32>
    %add3A_43 = vector.broadcast %mul3A_42 : i32 to vector<1024x1xi32>
    %add3A_44 = arith.addi %add3A_43, %iota3A : vector<1024x1xi32>
    %lt3A = arith.constant 10000 : i32
    %lt3A_45 = vector.broadcast %lt3A : i32 to vector<1024x1xi32>
    %lt3A_46 = arith.cmpi slt, %add3A_44, %lt3A_45 : vector<1024x1xi32>
    %jit3A = arith.constant 0.000000e+00 : f32
    %broadcast_in_dim3A_47 = vector.shape_cast %lt3A_46 : vector<1024x1xi1> to vector<1024x1xi1>
    %broadcast_in_dim3A_48 = vector.broadcast %broadcast_in_dim3A_47 : vector<1024x1xi1> to vector<1024x128xi1>
    %broadcast_in_dim3A_49 = vector.broadcast %jit3A : f32 to vector<1024x128xf32>
    %select_n3A = arith.select %broadcast_in_dim3A_48, %max3A_40, %broadcast_in_dim3A_49 : vector<1024x128xi1>, vector<1024x128xf32>
    %swap3A = arith.constant 0 : index
    %swap3A_50 = arith.constant 0 : index
    %swap3A_51 = vector.load %arg7[%swap3A, %swap3A_50] : memref<1024x128xf32, #tpu.memory_space<vmem>>, vector<1024x128xf32>
    tpu.vector_store %arg7[%swap3A, %swap3A_50], %select_n3A {strides = array<i32>} : memref<1024x128xf32, #tpu.memory_space<vmem>>, vector<1024x128xf32>,
    return
  }
  func.func @transform_0(%arg0: i32) -> (i32, i32, i32) {
    %c0_i32 = arith.constant 0 : i32
    %c0_i32_0 = arith.constant 0 : i32
    %c0_i32_1 = arith.constant 0 : i32
    return %c0_i32, %arg0, %c0_i32_0 : i32, i32, i32
  }
  func.func @transform_1(%arg0: i32) -> (i32, i32) {
    %c0_i32 = arith.constant 0 : i32
    %c0_i32_0 = arith.constant 0 : i32
    return %c0_i32, %arg0 : i32, i32
  }
  func.func @transform_2(%arg0: i32) -> (i32, i32) {
    %c0_i32 = arith.constant 0 : i32
    %c0_i32_0 = arith.constant 0 : i32
    return %arg0, %c0_i32 : i32, i32
  }
  func.func @transform_3(%arg0: i32) -> (i32, i32) {
    %c0_i32 = arith.constant 0 : i32
    %c0_i32_0 = arith.constant 0 : i32
    %c0_i32_1 = arith.constant 0 : i32
    return %c0_i32, %c0_i32_0 : i32, i32
  }
  func.func @transform_4(%arg0: i32) -> (i32, i32) {
    %c0_i32 = arith.constant 0 : i32
    %c0_i32_0 = arith.constant 0 : i32
    %c0_i32_1 = arith.constant 0 : i32
    return %c0_i32, %c0_i32_0 : i32, i32
  }
  func.func @transform_5(%arg0: i32) -> (i32, i32) {
    %c0_i32 = arith.constant 0 : i32
    %c0_i32_0 = arith.constant 0 : i32
    %c0_i32_1 = arith.constant 0 : i32
    return %c0_i32, %c0_i32_0 : i32, i32
  }
  func.func @transform_6(%arg0: i32) -> (i32, i32) {
    %c0_i32 = arith.constant 0 : i32
    %c0_i32_0 = arith.constant 0 : i32
    return %arg0, %c0_i32 : i32, i32
  }
}

module attributes {stable_mosaic.version = 14 : i64} {
  func.func @tc_head(%arg0: i32, %arg1: memref<2x1024x128xf32, #tpu.memory_space<vmem>>, %arg2: memref<2x1024xf32, #tpu.memory_space<vmem>>, %arg3: memref<1024x128xf32, #tpu.memory_space<vmem>>, %arg4: memref<128x128xf32, #tpu.memory_space<vmem>>, %arg5: memref<1x128xf32, #tpu.memory_space<vmem>>, %arg6: memref<128x128xf32, #tpu.memory_space<vmem>>, %arg7: memref<128x256xf32, #tpu.memory_space<vmem>>, %arg8: memref<1x128xf32, #tpu.memory_space<vmem>>, %arg9: memref<10x128xf32, #tpu.memory_space<vmem>>, %arg10: memref<1x10xf32, #tpu.memory_space<vmem>>, %arg11: memref<1x10xf32, #tpu.memory_space<vmem>>, %arg12: memref<8x128xf32, #tpu.memory_space<vmem>>, %arg13: memref<8x128xf32, #tpu.memory_space<vmem>>) attributes {dimension_semantics = [#tpu.dimension_semantics<arbitrary>], iteration_bounds = array<i64: 10>, scalar_prefetch = 0 : i64, scratch_operands = 2 : i64, tpu.core_type = #tpu.core_type<tc>, window_params = [{transform_indices = @transform_0, window_bounds = array<i64: 2, 1024, 128>}, {transform_indices = @transform_1, window_bounds = array<i64: 2, 1024>}, {transform_indices = @transform_2, window_bounds = array<i64: 1024, 128>}, {pipeline_mode = #tpu.pipeline_mode<synchronous>, transform_indices = @transform_3, window_bounds = array<i64: 128, 128>}, {pipeline_mode = #tpu.pipeline_mode<synchronous>, transform_indices = @transform_4, window_bounds = array<i64: 1, 128>}, {pipeline_mode = #tpu.pipeline_mode<synchronous>, transform_indices = @transform_5, window_bounds = array<i64: 128, 128>}, {pipeline_mode = #tpu.pipeline_mode<synchronous>, transform_indices = @transform_6, window_bounds = array<i64: 128, 256>}, {pipeline_mode = #tpu.pipeline_mode<synchronous>, transform_indices = @transform_7, window_bounds = array<i64: 1, 128>}, {pipeline_mode = #tpu.pipeline_mode<synchronous>, transform_indices = @transform_8, window_bounds = array<i64: 10, 128>}, {pipeline_mode = #tpu.pipeline_mode<synchronous>, transform_indices = @transform_9, window_bounds = array<i64: 1, 10>}, {pipeline_mode = #tpu.pipeline_mode<synchronous>, transform_indices = @transform_10, window_bounds = array<i64: 1, 10>}]} {
    %eq3A = arith.constant 0 : i32
    %eq3A_0 = arith.cmpi eq, %arg0, %eq3A : i32
    %convert_element_type3A = arith.extui %eq3A_0 : i1 to i32
    %cond3A = arith.constant 0 : i32
    %cond3A_1 = arith.cmpi ne, %convert_element_type3A, %cond3A : i32
    scf.if %cond3A_1 {
      %broadcast_in_dim3A_74 = arith.constant 0.000000e+00 : f32
      %broadcast_in_dim3A_75 = vector.broadcast %broadcast_in_dim3A_74 : f32 to vector<8x128xf32>
      %swap3A_76 = arith.constant 0 : index
      %swap3A_77 = arith.constant 0 : index
      %swap3A_78 = vector.load %arg12[%swap3A_76, %swap3A_77] : memref<8x128xf32, #tpu.memory_space<vmem>>, vector<8x128xf32>
      tpu.vector_store %arg12[%swap3A_76, %swap3A_77], %broadcast_in_dim3A_75 {strides = array<i32>} : memref<8x128xf32, #tpu.memory_space<vmem>>, vector<8x128xf32>,
      %broadcast_in_dim3A_79 = arith.constant 0.000000e+00 : f32
      %broadcast_in_dim3A_80 = vector.broadcast %broadcast_in_dim3A_79 : f32 to vector<8x128xf32>
      %swap3A_81 = arith.constant 0 : index
      %swap3A_82 = arith.constant 0 : index
      %swap3A_83 = vector.load %arg13[%swap3A_81, %swap3A_82] : memref<8x128xf32, #tpu.memory_space<vmem>>, vector<8x128xf32>
      tpu.vector_store %arg13[%swap3A_81, %swap3A_82], %broadcast_in_dim3A_80 {strides = array<i32>} : memref<8x128xf32, #tpu.memory_space<vmem>>, vector<8x128xf32>,
    } else {
    }
    %get3A = arith.constant 0 : index
    %get3A_2 = arith.constant 0 : index
    %get3A_3 = vector.load %arg3[%get3A, %get3A_2] : memref<1024x128xf32, #tpu.memory_space<vmem>>, vector<1024x128xf32>
    %get3A_4 = arith.constant 0 : index
    %get3A_5 = arith.constant 0 : index
    %get3A_6 = vector.load %arg2[%get3A_4, %get3A_5] : memref<2x1024xf32, #tpu.memory_space<vmem>>, vector<2x1024xf32>
    %slice3A = vector.extract_strided_slice %get3A_6 {offsets = [0, 0], sizes = [1, 1024], strides = [1, 1]} : vector<2x1024xf32> to vector<1x1024xf32>
    %squeeze3A = vector.shape_cast %slice3A : vector<1x1024xf32> to vector<1024xf32>
    %slice3A_7 = vector.extract_strided_slice %get3A_6 {offsets = [1, 0], sizes = [1, 1024], strides = [1, 1]} : vector<2x1024xf32> to vector<1x1024xf32>
    %squeeze3A_8 = vector.shape_cast %slice3A_7 : vector<1x1024xf32> to vector<1024xf32>
    %add3A = arith.addf %squeeze3A, %squeeze3A_8 : vector<1024xf32>
    %broadcast_in_dim3A = vector.shape_cast %add3A : vector<1024xf32> to vector<1024x1xf32>
    %max3A = arith.constant 1.000000e+00 : f32
    %max3A_9 = vector.broadcast %max3A : f32 to vector<1024x1xf32>
    %max3A_10 = arith.maximumf %broadcast_in_dim3A, %max3A_9 : vector<1024x1xf32>
    %div3A = arith.constant 1.000000e+00 : f32
    %div3A_11 = vector.broadcast %div3A : f32 to vector<1024x1xf32>
    %div3A_12 = arith.divf %div3A_11, %max3A_10 : vector<1024x1xf32>
    %get3A_13 = arith.constant 0 : index
    %get3A_14 = arith.constant 0 : index
    %get3A_15 = arith.constant 0 : index
    %get3A_16 = vector.load %arg1[%get3A_13, %get3A_14, %get3A_15] : memref<2x1024x128xf32, #tpu.memory_space<vmem>>, vector<1x1024x128xf32>
    %get3A_17 = vector.shape_cast %get3A_16 : vector<1x1024x128xf32> to vector<1024x128xf32>
    %get3A_18 = arith.constant 1 : index
    %get3A_19 = arith.constant 0 : index
    %get3A_20 = arith.constant 0 : index
    %get3A_21 = vector.load %arg1[%get3A_18, %get3A_19, %get3A_20] : memref<2x1024x128xf32, #tpu.memory_space<vmem>>, vector<1x1024x128xf32>
    %get3A_22 = vector.shape_cast %get3A_21 : vector<1x1024x128xf32> to vector<1024x128xf32>
    %add3A_23 = arith.addf %get3A_17, %get3A_22 : vector<1024x128xf32>
    %mul3A = vector.broadcast %div3A_12 : vector<1024x1xf32> to vector<1024x128xf32>
    %mul3A_24 = arith.mulf %add3A_23, %mul3A : vector<1024x128xf32>
    %get3A_25 = arith.constant 0 : index
    %get3A_26 = arith.constant 0 : index
    %get3A_27 = vector.load %arg4[%get3A_25, %get3A_26] : memref<128x128xf32, #tpu.memory_space<vmem>>, vector<128x128xf32>
    %dot_general3A = arith.constant dense<0.000000e+00> : vector<1024x128xf32>
    %dot_general3A_28 = tpu.matmul %mul3A_24, %get3A_27, %dot_general3A {dimension_numbers = #tpu.dot_dimension_numbers<[1], [1], [0], [0], [0, 0, 1, 0], [], []>, transpose_lhs_hint = false} : vector<1024x128xf32>, vector<128x128xf32>, vector<1024x128xf32> -> vector<1024x128xf32>
    %get3A_29 = arith.constant 0 : index
    %get3A_30 = arith.constant 0 : index
    %get3A_31 = vector.load %arg5[%get3A_29, %get3A_30] : memref<1x128xf32, #tpu.memory_space<vmem>>, vector<1x128xf32>
    %add3A_32 = vector.broadcast %get3A_31 : vector<1x128xf32> to vector<1024x128xf32>
    %add3A_33 = arith.addf %dot_general3A_28, %add3A_32 : vector<1024x128xf32>
    %get3A_34 = arith.constant 0 : index
    %get3A_35 = arith.constant 0 : index
    %get3A_36 = vector.load %arg6[%get3A_34, %get3A_35] : memref<128x128xf32, #tpu.memory_space<vmem>>, vector<128x128xf32>
    %dot_general3A_37 = arith.constant dense<0.000000e+00> : vector<1024x128xf32>
    %dot_general3A_38 = tpu.matmul %get3A_3, %get3A_36, %dot_general3A_37 {dimension_numbers = #tpu.dot_dimension_numbers<[1], [1], [0], [0], [0, 0, 1, 0], [], []>, transpose_lhs_hint = false} : vector<1024x128xf32>, vector<128x128xf32>, vector<1024x128xf32> -> vector<1024x128xf32>
    %add3A_39 = arith.addf %add3A_33, %dot_general3A_38 : vector<1024x128xf32>
    %max3A_40 = arith.constant 0.000000e+00 : f32
    %max3A_41 = vector.broadcast %max3A_40 : f32 to vector<1024x128xf32>
    %max3A_42 = arith.maximumf %add3A_39, %max3A_41 : vector<1024x128xf32>
    %mul3A_43 = arith.constant 1024 : i32
    %mul3A_44 = arith.muli %arg0, %mul3A_43 : i32
    %iota3A = tpu.iota {dimensions = array<i32: 0>} : vector<1024x1xi32>
    %add3A_45 = vector.broadcast %mul3A_44 : i32 to vector<1024x1xi32>
    %add3A_46 = arith.addi %add3A_45, %iota3A : vector<1024x1xi32>
    %lt3A = arith.constant 10000 : i32
    %lt3A_47 = vector.broadcast %lt3A : i32 to vector<1024x1xi32>
    %lt3A_48 = arith.cmpi slt, %add3A_46, %lt3A_47 : vector<1024x1xi32>
    %jit3A = arith.constant 0.000000e+00 : f32
    %broadcast_in_dim3A_49 = vector.shape_cast %lt3A_48 : vector<1024x1xi1> to vector<1024x1xi1>
    %broadcast_in_dim3A_50 = vector.broadcast %broadcast_in_dim3A_49 : vector<1024x1xi1> to vector<1024x128xi1>
    %broadcast_in_dim3A_51 = vector.broadcast %jit3A : f32 to vector<1024x128xf32>
    %select_n3A = arith.select %broadcast_in_dim3A_50, %max3A_42, %broadcast_in_dim3A_51 : vector<1024x128xi1>, vector<1024x128xf32>
    %get3A_52 = arith.constant 0 : index
    %get3A_53 = arith.constant 0 : index
    %get3A_54 = vector.load %arg12[%get3A_52, %get3A_53] : memref<8x128xf32, #tpu.memory_space<vmem>>, vector<8x128xf32>
    %reshape3A = vector.shape_cast %get3A_3 : vector<1024x128xf32> to vector<128x8x128xf32>
    %reduce_sum3A = arith.constant dense<0.000000e+00> : vector<8x128xf32>
    %reduce_sum3A_55 = vector.multi_reduction <add>, %reshape3A, %reduce_sum3A [0] : vector<128x8x128xf32> to vector<8x128xf32>
    %add3A_56 = arith.addf %get3A_54, %reduce_sum3A_55 : vector<8x128xf32>
    %swap3A = arith.constant 0 : index
    %swap3A_57 = arith.constant 0 : index
    %swap3A_58 = vector.load %arg12[%swap3A, %swap3A_57] : memref<8x128xf32, #tpu.memory_space<vmem>>, vector<8x128xf32>
    tpu.vector_store %arg12[%swap3A, %swap3A_57], %add3A_56 {strides = array<i32>} : memref<8x128xf32, #tpu.memory_space<vmem>>, vector<8x128xf32>,
    %get3A_59 = arith.constant 0 : index
    %get3A_60 = arith.constant 0 : index
    %get3A_61 = vector.load %arg13[%get3A_59, %get3A_60] : memref<8x128xf32, #tpu.memory_space<vmem>>, vector<8x128xf32>
    %reshape3A_62 = vector.shape_cast %select_n3A : vector<1024x128xf32> to vector<128x8x128xf32>
    %reduce_sum3A_63 = arith.constant dense<0.000000e+00> : vector<8x128xf32>
    %reduce_sum3A_64 = vector.multi_reduction <add>, %reshape3A_62, %reduce_sum3A_63 [0] : vector<128x8x128xf32> to vector<8x128xf32>
    %add3A_65 = arith.addf %get3A_61, %reduce_sum3A_64 : vector<8x128xf32>
    %swap3A_66 = arith.constant 0 : index
    %swap3A_67 = arith.constant 0 : index
    %swap3A_68 = vector.load %arg13[%swap3A_66, %swap3A_67] : memref<8x128xf32, #tpu.memory_space<vmem>>, vector<8x128xf32>
    tpu.vector_store %arg13[%swap3A_66, %swap3A_67], %add3A_65 {strides = array<i32>} : memref<8x128xf32, #tpu.memory_space<vmem>>, vector<8x128xf32>,
    %eq3A_69 = arith.constant 9 : i32
    %eq3A_70 = arith.cmpi eq, %arg0, %eq3A_69 : i32
    %convert_element_type3A_71 = arith.extui %eq3A_70 : i1 to i32
    %cond3A_72 = arith.constant 0 : i32
    %cond3A_73 = arith.cmpi ne, %convert_element_type3A_71, %cond3A_72 : i32
    scf.if %cond3A_73 {
      %get3A_74 = arith.constant 0 : index
      %get3A_75 = arith.constant 0 : index
      %get3A_76 = vector.load %arg12[%get3A_74, %get3A_75] : memref<8x128xf32, #tpu.memory_space<vmem>>, vector<8x128xf32>
      %reduce_sum3A_77 = arith.constant dense<0.000000e+00> : vector<128xf32>
      %reduce_sum3A_78 = vector.multi_reduction <add>, %get3A_76, %reduce_sum3A_77 [0] : vector<8x128xf32> to vector<128xf32>
      %broadcast_in_dim3A_79 = vector.shape_cast %reduce_sum3A_78 : vector<128xf32> to vector<1x128xf32>
      %mul3A_80 = arith.constant 9.99999974E-5 : f32
      %mul3A_81 = vector.broadcast %mul3A_80 : f32 to vector<1x128xf32>
      %mul3A_82 = arith.mulf %broadcast_in_dim3A_79, %mul3A_81 : vector<1x128xf32>
      %get3A_83 = arith.constant 0 : index
      %get3A_84 = arith.constant 0 : index
      %get3A_85 = vector.load %arg13[%get3A_83, %get3A_84] : memref<8x128xf32, #tpu.memory_space<vmem>>, vector<8x128xf32>
      %reduce_sum3A_86 = arith.constant dense<0.000000e+00> : vector<128xf32>
      %reduce_sum3A_87 = vector.multi_reduction <add>, %get3A_85, %reduce_sum3A_86 [0] : vector<8x128xf32> to vector<128xf32>
      %broadcast_in_dim3A_88 = vector.shape_cast %reduce_sum3A_87 : vector<128xf32> to vector<1x128xf32>
      %mul3A_89 = arith.constant 9.99999974E-5 : f32
      %mul3A_90 = vector.broadcast %mul3A_89 : f32 to vector<1x128xf32>
      %mul3A_91 = arith.mulf %broadcast_in_dim3A_88, %mul3A_90 : vector<1x128xf32>
      %concatenate3A = tpu.concatenate %mul3A_82, %mul3A_91 in 1 : vector<1x128xf32>, vector<1x128xf32> -> vector<1x256xf32>
      %broadcast_in_dim3A_92 = vector.shape_cast %concatenate3A : vector<1x256xf32> to vector<1x256xf32>
      %broadcast_in_dim3A_93 = vector.broadcast %broadcast_in_dim3A_92 : vector<1x256xf32> to vector<8x256xf32>
      %get3A_94 = arith.constant 0 : index
      %get3A_95 = arith.constant 0 : index
      %get3A_96 = vector.load %arg7[%get3A_94, %get3A_95] : memref<128x256xf32, #tpu.memory_space<vmem>>, vector<128x256xf32>
      %dot_general3A_97 = arith.constant dense<0.000000e+00> : vector<8x128xf32>
      %dot_general3A_98 = tpu.matmul %broadcast_in_dim3A_93, %get3A_96, %dot_general3A_97 {dimension_numbers = #tpu.dot_dimension_numbers<[1], [1], [0], [0], [0, 0, 1, 0], [], []>, transpose_lhs_hint = false} : vector<8x256xf32>, vector<128x256xf32>, vector<8x128xf32> -> vector<8x128xf32>
      %get3A_99 = arith.constant 0 : index
      %get3A_100 = arith.constant 0 : index
      %get3A_101 = vector.load %arg8[%get3A_99, %get3A_100] : memref<1x128xf32, #tpu.memory_space<vmem>>, vector<1x128xf32>
      %add3A_102 = vector.broadcast %get3A_101 : vector<1x128xf32> to vector<8x128xf32>
      %add3A_103 = arith.addf %dot_general3A_98, %add3A_102 : vector<8x128xf32>
      %max3A_104 = arith.constant 0.000000e+00 : f32
      %max3A_105 = vector.broadcast %max3A_104 : f32 to vector<8x128xf32>
      %max3A_106 = arith.maximumf %add3A_103, %max3A_105 : vector<8x128xf32>
      %get3A_107 = arith.constant 0 : index
      %get3A_108 = arith.constant 0 : index
      %get3A_109 = vector.load %arg9[%get3A_107, %get3A_108] : memref<10x128xf32, #tpu.memory_space<vmem>>, vector<10x128xf32>
      %dot_general3A_110 = arith.constant dense<0.000000e+00> : vector<8x10xf32>
      %dot_general3A_111 = tpu.matmul %max3A_106, %get3A_109, %dot_general3A_110 {dimension_numbers = #tpu.dot_dimension_numbers<[1], [1], [0], [0], [0, 0, 1, 0], [], []>, transpose_lhs_hint = false} : vector<8x128xf32>, vector<10x128xf32>, vector<8x10xf32> -> vector<8x10xf32>
      %get3A_112 = arith.constant 0 : index
      %get3A_113 = arith.constant 0 : index
      %get3A_114 = vector.load %arg10[%get3A_112, %get3A_113] : memref<1x10xf32, #tpu.memory_space<vmem>>, vector<1x10xf32>
      %add3A_115 = vector.broadcast %get3A_114 : vector<1x10xf32> to vector<8x10xf32>
      %add3A_116 = arith.addf %dot_general3A_111, %add3A_115 : vector<8x10xf32>
      %reduce_max3A = arith.constant dense<0xFF800000> : vector<8xf32>
      %reduce_max3A_117 = vector.multi_reduction <maximumf>, %add3A_116, %reduce_max3A [1] : vector<8x10xf32> to vector<8xf32>
      %broadcast_in_dim3A_118 = vector.shape_cast %reduce_max3A_117 : vector<8xf32> to vector<8x1xf32>
      %sub3A = vector.broadcast %broadcast_in_dim3A_118 : vector<8x1xf32> to vector<8x10xf32>
      %sub3A_119 = arith.subf %add3A_116, %sub3A : vector<8x10xf32>
      %exp3A = math.exp %sub3A_119 : vector<8x10xf32>
      %reduce_sum3A_120 = arith.constant dense<0.000000e+00> : vector<8xf32>
      %reduce_sum3A_121 = vector.multi_reduction <add>, %exp3A, %reduce_sum3A_120 [1] : vector<8x10xf32> to vector<8xf32>
      %broadcast_in_dim3A_122 = vector.shape_cast %reduce_sum3A_121 : vector<8xf32> to vector<8x1xf32>
      %log3A = math.log %broadcast_in_dim3A_122 : vector<8x1xf32>
      %add3A_123 = arith.addf %log3A, %broadcast_in_dim3A_118 : vector<8x1xf32>
      %sub3A_124 = vector.broadcast %add3A_123 : vector<8x1xf32> to vector<8x10xf32>
      %sub3A_125 = arith.subf %add3A_116, %sub3A_124 : vector<8x10xf32>
      %slice3A_126 = vector.extract_strided_slice %sub3A_125 {offsets = [0, 0], sizes = [1, 10], strides = [1, 1]} : vector<8x10xf32> to vector<1x10xf32>
      %swap3A_127 = arith.constant 0 : index
      %swap3A_128 = arith.constant 0 : index
      %swap3A_129 = vector.load %arg11[%swap3A_127, %swap3A_128] : memref<1x10xf32, #tpu.memory_space<vmem>>, vector<1x10xf32>
      tpu.vector_store %arg11[%swap3A_127, %swap3A_128], %slice3A_126 {strides = array<i32>} : memref<1x10xf32, #tpu.memory_space<vmem>>, vector<1x10xf32>,
    } else {
    }
    return
  }
  func.func @transform_0(%arg0: i32) -> (i32, i32, i32) {
    %c0_i32 = arith.constant 0 : i32
    %c0_i32_0 = arith.constant 0 : i32
    %c0_i32_1 = arith.constant 0 : i32
    return %c0_i32, %arg0, %c0_i32_0 : i32, i32, i32
  }
  func.func @transform_1(%arg0: i32) -> (i32, i32) {
    %c0_i32 = arith.constant 0 : i32
    %c0_i32_0 = arith.constant 0 : i32
    return %c0_i32, %arg0 : i32, i32
  }
  func.func @transform_2(%arg0: i32) -> (i32, i32) {
    %c0_i32 = arith.constant 0 : i32
    %c0_i32_0 = arith.constant 0 : i32
    return %arg0, %c0_i32 : i32, i32
  }
  func.func @transform_3(%arg0: i32) -> (i32, i32) {
    %c0_i32 = arith.constant 0 : i32
    %c0_i32_0 = arith.constant 0 : i32
    %c0_i32_1 = arith.constant 0 : i32
    return %c0_i32, %c0_i32_0 : i32, i32
  }
  func.func @transform_4(%arg0: i32) -> (i32, i32) {
    %c0_i32 = arith.constant 0 : i32
    %c0_i32_0 = arith.constant 0 : i32
    %c0_i32_1 = arith.constant 0 : i32
    return %c0_i32, %c0_i32_0 : i32, i32
  }
  func.func @transform_5(%arg0: i32) -> (i32, i32) {
    %c0_i32 = arith.constant 0 : i32
    %c0_i32_0 = arith.constant 0 : i32
    %c0_i32_1 = arith.constant 0 : i32
    return %c0_i32, %c0_i32_0 : i32, i32
  }
  func.func @transform_6(%arg0: i32) -> (i32, i32) {
    %c0_i32 = arith.constant 0 : i32
    %c0_i32_0 = arith.constant 0 : i32
    %c0_i32_1 = arith.constant 0 : i32
    return %c0_i32, %c0_i32_0 : i32, i32
  }
  func.func @transform_7(%arg0: i32) -> (i32, i32) {
    %c0_i32 = arith.constant 0 : i32
    %c0_i32_0 = arith.constant 0 : i32
    %c0_i32_1 = arith.constant 0 : i32
    return %c0_i32, %c0_i32_0 : i32, i32
  }
  func.func @transform_8(%arg0: i32) -> (i32, i32) {
    %c0_i32 = arith.constant 0 : i32
    %c0_i32_0 = arith.constant 0 : i32
    %c0_i32_1 = arith.constant 0 : i32
    return %c0_i32, %c0_i32_0 : i32, i32
  }
  func.func @transform_9(%arg0: i32) -> (i32, i32) {
    %c0_i32 = arith.constant 0 : i32
    %c0_i32_0 = arith.constant 0 : i32
    %c0_i32_1 = arith.constant 0 : i32
    return %c0_i32, %c0_i32_0 : i32, i32
  }
  func.func @transform_10(%arg0: i32) -> (i32, i32) {
    %c0_i32 = arith.constant 0 : i32
    %c0_i32_0 = arith.constant 0 : i32
    %c0_i32_1 = arith.constant 0 : i32
    return %c0_i32, %c0_i32_0 : i32, i32
  }
}

</mosaic_0001>

<sc_bundles>
// kernel: sc_segsum.3.cloned.1.call-start
scs
__scs_entry_jumppad:
0x0: {  	(pc) =	sbr.rel $0x88, $3  }
0x1: {  	(tag) =	ssettag $0x0;
	lr =	simm.s32 $0x1  }
0x2: {  	[smem:$0x3F95] =	sst lr;
	_ =	strace $0xD0000000  }
0x3: {  	_ = 	snop  }
0x4: {  	_ = 	snop  }
0x5: {  	_ = 	snop  }
0x6: {  	_ = 	snop  }
0x7: {  	_ = 	snop  }
__scs_overlays_trampoline_lowered:
0x8: {  	[smem:$0x3FA4] =	sst s0  }
0x9: {  	[smem:$0x3FA5] =	sst s1  }
0xa: {  	[smem:$0x3FA6] =	sst s2  }
0xb: {  	[smem:$0x3FA7] =	sst s3  }
0xc: {  	[smem:$0x3FA8] =	sst s4  }
0xd: {  	[smem:$0x3FA9] =	sst s5  }
0xe: {  	[smem:$0x3FAA] =	sst s6  }
0xf: {  	[smem:$0x3FAB] =	sst s7  }
0x10: {  	[smem:$0x3FAC] =	sst s8  }
0x11: {  	[smem:$0x3FAD] =	sst s9;
	s0 =	simm.s32 @!p0 $0x0  }
0x12: {  	s1 =	sld [smem:$0x3F93];
	s0 =	simm.s32 @p0 $0x1  }
0x13: {  	[smem:$0x3FAE] =	sst s0;
	s0 =	simm.s32 @!p1 $0x0  }
0x14: {  	s2 =	sld [smem:$0x3F92];
	s0 =	simm.s32 @p1 $0x1  }
0x15: {  	[smem:$0x3FAF] =	sst s0;
	s0 =	simm.s32 @!p2 $0x0  }
0x16: {  	s3 =	sld [smem:$0x3FDB];
	s0 =	simm.s32 @p2 $0x1  }
0x17: {  	s4 =	simm.s32 $0x1BF5;
	[smem:$0x3FB1] =	sst s0  }
0x18: {  	s0 =	sld [smem:$0x3F94];
	_ =	swait.ge [sflag:s4], $0x0  }
0x19: {  	s7 =	sld [smem:$0x3F95]  }
0x1a: {  	s8 =	sadd.s32 $0xFFFFE003, lr  }
0x1b: {  	s9 =	sadd.s32 $0xFFFFFEF7, lr;
	s5 =	simm.s32 $0xFFFFFFFF;
	p2 =	slt.u32 s8, $0xFFFFF086  }
0x1c: {  	p1 =	slt.u32 s9, $0xF7A;
	s5 =	simm.s32 @!p2 $0x0  }
0x1d: {  	s5 =	simm.s32 @p1 $0x1;
	p0 =	seq.s32 s7, s2  }
0x1e: {  	s7 =	smul.u32 @!p0 $0xF7A, s2;
	p2 =	seq.s32 @!p0 s5, $0x0  }
0x1f: {  	s9 =	smul.u32 $0xF7A, s1;
	s8 =	simm.s32 @!p0 $0x1BF5;
	p2 =	por !p2, p0  }
0x20: {  	[sflag:s8] =	ssyncset.s32 @!p0 $0xFFFFF086;
	s6 =	sadd.s32 @!p0 s3, s7;
	s7 =	simm.s32 @!p0 $0x108  }
0x21: {  	s3 =	sadd.s32 s3, s9;
	s6 =	sadd.s32 @!p0 $0x88, s6;
	s7 =	simm.s32 @p2 $0x1082  }
0x22: {  	[simem:s7], [sflag:s8] =	dma.local @!p0 [hbm:s6], $0xF7A  }
0x23: {  	s9 =	sor.u32 $0xD0000000, s2;
	s6 =	simm.s32 $0x108;
	_ =	swait.ge @!p0 [sflag:s8], $0x0  }
0x24: {  	s3 =	sadd.s32 $0x88, s3;
	s6 =	simm.s32 @!p1 $0x1082;
	[sflag:s4] =	ssyncset.s32 $0xFFFFF086  }
0x25: {  	[simem:s6], [sflag:s4] =	dma.local [hbm:s3], $0xF7A  }
0x26: {  	[smem:$0x3F95] =	sst s1;
	(tag) =	ssettag s2;
	_ =	strace s9  }
0x27: {  	s1 =	sld [smem:$0x3FA5]  }
0x28: {  	s2 =	sld [smem:$0x3FA6]  }
0x29: {  	s4 =	sld [smem:$0x3FA8]  }
0x2a: {  	p0 =	seq.s32 s5, $0x0;
	s5 =	sld [smem:$0x3FA9]  }
0x2b: {  	s6 =	sld [smem:$0x3FAA]  }
0x2c: {  	s7 =	sld [smem:$0x3FAB]  }
0x2d: {  	s3 =	simm.s32 $0x108;
	s8 =	sld [smem:$0x3FAC]  }
0x2e: {  	s3 =	simm.s32 @!p0 $0x1082;
	s9 =	sld [smem:$0x3FAD]  }
0x2f: {  	lr =	sadd.s32 s0, s3;
	s0 =	sld [smem:$0x3FA4]  }
0x30: {  	s3 =	sld [smem:$0x3FA7]  }
0x31: {  	[smem:$0x3FB0] =	sst s10  }
0x32: {  	s10 =	sld [smem:$0x3FAE];
	_ =	sdelay $0x3  }
0x33: {  	p0 =	seq.s32 s10, $0x1;
	s10 =	sld [smem:$0x3FB0];
	_ =	sdelay $0x3  }
0x34: {  	[smem:$0x3FB0] =	sst s10  }
0x35: {  	s10 =	sld [smem:$0x3FAF];
	_ =	sdelay $0x3  }
0x36: {  	p1 =	seq.s32 s10, $0x1;
	s10 =	sld [smem:$0x3FB0];
	_ =	sdelay $0x3  }
0x37: {  	[smem:$0x3FB0] =	sst s10  }
0x38: {  	s10 =	sld [smem:$0x3FB1]  }
0x39: {  	_ = 	snop;
	(pc) =	sbr.ind lr, $3  }
0x3a: {  	_ = 	snop  }
0x3b: {  	_ = 	snop  }
0x3c: {  	p2 =	seq.s32 s10, $0x1;
	s10 =	sld [smem:$0x3FB0]  }
0x3d: {  	_ =	shalt  }
0x3e: {  	_ =	shalt  }
0x3f: {  	_ =	shalt  }
0x40: {  	_ =	shalt  }
0x41: {  	_ =	shalt  }
0x42: {  	_ =	shalt  }
0x43: {  	_ =	shalt  }
0x44: {  	_ =	shalt  }
0x45: {  	_ =	shalt  }
0x46: {  	_ =	shalt  }
0x47: {  	_ =	shalt  }
0x48: {  	_ =	shalt  }
0x49: {  	_ =	shalt  }
0x4a: {  	_ =	shalt  }
0x4b: {  	_ =	shalt  }
0x4c: {  	_ =	shalt  }
0x4d: {  	_ =	shalt  }
0x4e: {  	_ =	shalt  }
0x4f: {  	_ =	shalt  }
0x50: {  	_ =	shalt  }
0x51: {  	_ =	shalt  }
0x52: {  	_ =	shalt  }
0x53: {  	_ =	shalt  }
0x54: {  	_ =	shalt  }
0x55: {  	_ =	shalt  }
0x56: {  	_ =	shalt  }
0x57: {  	_ =	shalt  }
0x58: {  	_ =	shalt  }
0x59: {  	_ =	shalt  }
0x5a: {  	_ =	shalt  }
0x5b: {  	_ =	shalt  }
0x5c: {  	_ =	shalt  }
0x5d: {  	_ =	shalt  }
0x5e: {  	_ =	shalt  }
0x5f: {  	_ =	shalt  }
0x60: {  	_ =	shalt  }
0x61: {  	_ =	shalt  }
0x62: {  	_ =	shalt  }
0x63: {  	_ =	shalt  }
0x64: {  	_ =	shalt  }
0x65: {  	_ =	shalt  }
0x66: {  	_ =	shalt  }
0x67: {  	_ =	shalt  }
0x68: {  	_ =	shalt  }
0x69: {  	_ =	shalt  }
0x6a: {  	_ =	shalt  }
0x6b: {  	_ =	shalt  }
0x6c: {  	_ =	shalt  }
0x6d: {  	_ =	shalt  }
0x6e: {  	_ =	shalt  }
0x6f: {  	_ =	shalt  }
0x70: {  	_ =	shalt  }
0x71: {  	_ =	shalt  }
0x72: {  	_ =	shalt  }
0x73: {  	_ =	shalt  }
0x74: {  	_ =	shalt  }
0x75: {  	_ =	shalt  }
0x76: {  	_ =	shalt  }
0x77: {  	_ =	shalt  }
0x78: {  	_ =	shalt  }
0x79: {  	_ =	shalt  }
0x7a: {  	_ =	shalt  }
0x7b: {  	_ =	shalt  }
0x7c: {  	_ =	shalt  }
0x7d: {  	_ =	shalt  }
0x7e: {  	_ =	shalt  }
0x7f: {  	_ =	shalt  }
0x80: {  	_ =	shalt  }
0x81: {  	_ =	shalt  }
0x82: {  	_ =	shalt  }
0x83: {  	_ =	shalt  }
0x84: {  	_ =	shalt  }
0x85: {  	_ =	shalt  }
0x86: {  	_ =	shalt  }
0x87: {  	_ =	shalt  }
.Lfunc_end0:
.L_simem_size_0:
called_computation.1_lowered:
.L_overlay_start_0:
0x88: {  	s2 =	sld [smem:$0x3FD9]  }
0x89: {  	s3 =	sld [smem:$0x3FFE];
	_ =	sdelay $0x1  }
0x8a: {  	s1 =	srdreg.scid  }
0x8b: {  	s0 =	sand.u32 $0x1, s1  }
0x8c: {  	s16 =	sshll.u32 s0, $0xA;
	s2 =	sadd.s32 s3, s2  }
0x8d: {  	s2 =	sadd.s32 s2, s16  }
0x8e: {  	[smem:$0x3FBC] =	sst s2  }
0x8f: {  	_ = 	snop  }
0x90: {  	(tm) =	ssettm $0x1  }
0x91: {  	s17 =	sld [smem:$0x3FFB];
	_ =	sdelay $0x3  }
0x92: {  	_ =	strace s17  }
0x93: {  	s2 =	sld [smem:$0x3FFC];
	_ =	sdelay $0x3  }
0x94: {  	_ =	strace s2  }
0x95: {  	s2 =	sld [smem:$0x3FFD];
	_ =	sdelay $0x3  }
0x96: {  	_ =	strace s2  }
0x97: {  	_ =	strace $0x8FFFFFFF  }
0x98: {  	s18 =	sld [smem:$0x3FDB];
	_ =	sdelay $0x1  }
0x99: {  	s19 =	simm.s32 $_scs_section_size  }
0x9a: {  	s4 =	simm.s32 $_size__tile_overlayer_lowered;
	s5 =	simm.s32 $_tile_overlayer_lowered  }
0x9b: {  	s22 =	simm.s32 $0x1BFF;
	s21 =	sshll.u32 s5, $0x1;
	s2 =	sadd.s32 s19, s18  }
0x9c: {  	s6 =	simm.s32 $0x0;
	s20 =	sshll.u32 s4, $0x1;
	s4 =	sadd.s32 s21, s2  }
0x9d: {  	[timem:s6], [sflag:s22] =	dma.local [hbm:s4], s20  }
0x9e: {  	_ =	swait.ge [sflag:s22], s20  }
0x9f: {  	s3 =	ssub.s32 $0x0, s20;
	[sflag:s22] =	ssyncset.done $0x0  }
0xa0: {  	[sflag:s22] =	ssyncadd.s32 s3;
	_ =	sdelay $0x1  }
0xa1: {  	s23 =	simm.s32 $0x1B8B  }
0xa2: {  	_ =	swait.ge [sflag:s23], $0x1  }
0xa3: {  	[sflag:s23] =	ssyncset.done $0x0  }
0xa4: {  	s25 =	simm.s32 $0x1B8E;
	s24 =	sld [smem:$0x3FFE];
	[sflag:s23] =	ssyncadd.s32 $0xFFFFFFFF  }
0xa5: {  	s26 =	simm.s32 $execute0_lowered;
	[smem:$0x3FD2] =	sst s25  }
0xa6: {  	s4 =	sshll.u32 s26, $0x1;
	_ =	strace $0x80000049;
	[dreg:$0x1] =	wrdreg $0xFFFFFFFF  }
0xa7: {  	s28 =	simm.s32 $_size_execute0_lowered;
	s2 =	sadd.s32 s2, s4;
	[dreg:$0x0] =	wrdreg $0x0  }
0xa8: {  	s4 =	sshll.u32 s28, $0x1;
	[dreg:$0x2] =	wrdreg s2  }
0xa9: {  	[dreg:$0x3] =	wrdreg s4  }
0xaa: {  	[dreg:$0x4] =	wrdreg $0xC0  }
0xab: {  	_ =	task [dreg:s6], $0x5FFFF  }
0xac: {  	[dreg:$0x1] =	wrdreg $0xFFFFFFFF  }
0xad: {  	[dreg:$0x0] =	wrdreg $0x60  }
0xae: {  	[dreg:$0x2] =	wrdreg s24  }
0xaf: {  	[dreg:$0x3] =	wrdreg $0xA9000  }
0xb0: {  	[dreg:$0x4] =	wrdreg $0x9  }
0xb1: {  	_ =	task.clear_ibuf [dreg:s6], $0x5FFFF;
	_ =	strace $0x90000049  }
0xb2: {  	s29 =	simm.s32 $0x9;
	_ =	strace $0x8000004B  }
0xb3: {  	_ =	swait.ge [sflag:s29], $0x1  }
0xb4: {  	[sflag:s29] =	ssyncadd.s32 $0xFFFFFFFF  }
0xb5: {  	_ =	strace $0x9000004B  }
0xb6: {  	_ =	sfence  }
0xb7: {  	s30 =	sld [smem:$0x0];
	_ =	sdelay $0x2  }
0xb8: {  	s31 =	sshll.u32 s1, $0xD;
	s1 =	sshrl.u32 s1, $0x2  }
0xb9: {  	s3 =	sand.u32 $0x4000, s31;
	s1 =	sadd.s32 s1, s30  }
0xba: {  	s0 =	sor.u32 s3, s0;
	s1 =	sshll.u32 s1, $0x11  }
0xbb: {  	s0 =	sor.u32 s1, s0  }
0xbc: {  	s0 =	sadd.s32 $0x8F2B, s0  }
0xbd: {  	[sflag:s0] =	ssyncadd.remote.s32 $0x1  }
0xbe: {  	_ =	sfence.sel $0xFFFF  }
0xbf: {  	[dreg:$0x0] =	wrdreg $0xFFFFFFFF;
	(pc) =	sbr.abs _section_cstart, $3  }
0xc0: {  	[dreg:$0x1] =	wrdreg $0xFFFFFFFF  }
0xc1: {  	_ =	task.clear_ibuf [dreg:s6], $0x2FFFF;
	_ =	strace $0x9FFFFFFF  }
0xc2: {  	(tm) =	ssettm $0x7FFFFFFF  }
0xc3: {  	_ =	shalt  }
tec
execute0_lowered:
.L_overlay_start_1:
0x0: {  	(tag) =	ssettag $0x1  }
0x1: {  	s0 =	srdreg.scid  }
0x2: {  	s6 =	rddreg [dreg:$0x0];
	s21 =	stileid.u32  }
0x3: {  	s2 =	rddreg [dreg:$0x1];
	s16 =	simm.s32 $0x2880;
	s19 =	simm.s32 $0x2  }
0x4: {  	s20 =	simm.s32 $0x3;
	s28 =	simm.s32 $0x1;
	s8 =	smul.u32 $0x14000, s21  }
0x5: {  	s29 =	simm.s32 $0x0;
	s1 =	sand.u32 $0x1, s0;
	s13 =	smul.u32 $0x50000, s21  }
0x6: {  	s12 =	sadd.s32 $0x35000, s6;
	s5 =	sadd.s32 $0x3F200, s6;
	s24 =	smul.u32 $0x2800, s21  }
0x7: {  	s31 =	sshll.u32 s21, $0x6;
	s3 =	sshll.u32 s1, $0x4;
	s7 =	smul.u32 $0x140000, s1  }
0x8: {  	s22 =	ssub.s32 $0x2, s1;
	s1 =	smul.u32 $0x28000, s1;
	s17 =	sor.u32 $0x1C07, s31  }
0x9: {  	s4 =	sor.u32 s21, s3;
	s3 =	simm.s32 $0x0;
	s23 =	sshrl.u32 s22, $0x1  }
0xa: {  	s26 =	sshrl.u32 s13, $0x2;
	s13 =	simm.s32 $0x2800;
	s21 =	simm.s32 $0x6900  }
0xb: {  	s9 =	smul.u32 $0x2800, s4;
	[smem:$0x7FF] =	sst s3;
	s4 =	sadd.s32 $0x3000, s6  }
0xc: {  	s7 =	sadd.s32 s8, s7;
	s15 =	ssub.s32 s22, s23;
	s18 =	sadd.s32 s26, s2  }
0xd: {  	s1 =	sadd.s32 s24, s1;
	s22 =	simm.s32 $0x4;
	s23 =	simm.s32 $0x80  }
0xe: {  	s26 =	simm.s32 $0x6;
	_ =	strace $0x8000004A;
	[dreg:$0x3] =	wrdreg s5  }
0xf: {  	s7 =	sshrl.u32 s7, $0x3;
	s1 =	sor.u32 $0x180, s1;
	s18 =	sshrl.u32 s18, $0x3  }
0x10: {  	s10 =	sshrl.u32 s9, $0x3;
	s14 =	sadd.s32 s7, s6;
	s30 =	sor.u32 $0x100, s9  }
.Ltmp0:
0x11: {  	s1 =	sshrl.u32 s1, $0x3;
	s11 =	sadd.s32 s10, s6;
	(pc) =	sbr.rel .LBB2_1-.Ltmp0, $4  }
0x12: {  	s6 =	sadd.s32 s12, s10;
	s9 =	sadd.s32 $0x41A00, s14;
	s10 =	smax.u32 s15, $0x1  }
0x13: {  	s14 =	simm.s32 $0x7;
	s15 =	simm.s32 $0x2900;
	s25 =	sadd.s32 $0x10, s6  }
0x14: {  	s8 =	sadd.s32 $0x2B000, s11;
	s11 =	sshrl.u32 s30, $0x3;
	[dreg:$0x4] =	wrdreg s25  }
0x15: {  	s11 =	sadd.s32 s12, s11;
	s12 =	sadd.s32 s1, s12;
	s25 =	simm.s32 $0x5  }
.LBB2_5:
0x16: {  	_ =	swait.ge [sflag:s22], $0x4000  }
0x17: {  	[sflag:s22] =	ssyncset.done $0x0  }
0x18: {  	s0 =	simm.s32 $0x2780;
	[sflag:s22] =	ssyncadd.s32 $0xFFFFC000  }
0x19: {  	[spmem:s2] =	stream.indirect.scatter.add.f32 [tilespmem:s21], [sflag:$0x6], $0x80, s0, s23, $0xb8;
	[tilespmem:$0x1E900] =	vst v63  }
0x1a: {  	_ =	swait.ge [sflag:s25], $0x4000  }
0x1b: {  	[sflag:s25] =	ssyncset.done $0x0  }
0x1c: {  	[sflag:s25] =	ssyncadd.s32 $0xFFFFC000  }
0x1d: {  	_ =	swait.ge [sflag:s26], $0x4000  }
0x1e: {  	s29 =	sadd.s32 $0x1, s29;
	[sflag:s26] =	ssyncset.done $0x0  }
0x1f: {  	p0 =	sne.s32 s29, s10;
	[sflag:s26] =	ssyncadd.s32 $0xFFFFC000  }
.Ltmp1:
0x20: {  	[bflag:$0x0] =	sbarrier.arrive $0xFFFF;
	(pc) =	sbr.rel @!p0 .LBB2_6-.Ltmp1, $4  }
0x21: {  	[hbm:s9], [sflag:s17] =	dma.local [spmem:s18], $0x2800  }
0x22: {  	_ =	swait.ge [sflag:s14], $0x2800  }
0x23: {  	[sflag:s14] =	ssyncset.done $0x0  }
0x24: {  	[sflag:s14] =	ssyncadd.s32 $0xFFFFD800  }
.LBB2_1:
0x25: {  	[tilespmem:s13], [sflag:$0x7] =	stream.linear.gather [hbm4b:s6+s3], $0x80, $0x38;
	[tilespmem:$0x1E900] =	vst v63  }
0x26: {  	_ =	swait.ge [sflag:s14], $0x80  }
0x27: {  	[sflag:s14] =	ssyncset.done $0x0  }
0x28: {  	[sflag:s14] =	ssyncadd.s32 $0xFFFFFF80  }
0x29: {  	[tilespmem:s15], [sflag:$0x3] =	stream.indirect.gather [hbm4b:s4+s23], $0x80, s13, s23, $0xb8;
	[tilespmem:$0x1E900] =	vst v63  }
0x2a: {  	s0 =	rddreg [dreg:$0x4]  }
0x2b: {  	[tilespmem:s16], [sflag:$0x2] =	stream.linear.gather [hbm4b:s0+s3], $0x80, $0x38;
	[tilespmem:$0x1E900] =	vst v63  }
0x2c: {  	_ = 	snop  }
0x2d: {  	[tilespmem:s3], [sflag:$0x7] =	stream.linear.gather [hbm4b:s8+s3], $0x2800, $0x38;
	[tilespmem:$0x1E900] =	vst v63  }
0x2e: {  	_ =	swait.ge [sflag:s14], $0x2800  }
0x2f: {  	[sflag:s14] =	ssyncset.done $0x0  }
0x30: {  	s24 =	rddreg [dreg:$0x3];
	[sflag:s14] =	ssyncadd.s32 $0xFFFFD800  }
0x31: {  	[spmem:s18], [sflag:s17] =	dma.local [hbm:s24], $0x2800  }
0x32: {  	_ =	swait.ge [sflag:s14], $0x2800  }
0x33: {  	[sflag:s14] =	ssyncset.done $0x0  }
0x34: {  	[sflag:s14] =	ssyncadd.s32 $0xFFFFD800  }
0x35: {  	[bflag:$0x0] =	sbarrier.arrive $0xFFFF  }
0x36: {  	_ =	swait.ge [sflag:s19], $0x80  }
0x37: {  	[sflag:s19] =	ssyncset.done $0x0  }
0x38: {  	[sflag:s19] =	ssyncadd.s32 $0xFFFFFF80  }
0x39: {  	_ =	swait.ge [sflag:s20], $0x4000  }
0x3a: {  	[sflag:s20] =	ssyncset.done $0x0  }
0x3b: {  	[sflag:s20] =	ssyncadd.s32 $0xFFFFC000  }
0x3c: {  	[tilespmem:s21], [sflag:$0x4] =	stream.indirect.gather [hbm4b:s4+s23], $0x80, s16, s23, $0xb8;
	[tilespmem:$0x1E900] =	vst v63  }
.Ltmp2:
0x3d: {  	_ = 	snop;
	(pc) =	sbr.rel .LBB2_2-.Ltmp2, $4  }
0x3e: {  	_ = 	snop  }
0x3f: {  	[tilespmem:s13], [sflag:$0x1] =	stream.linear.gather [hbm4b:s11+s3], $0x80, $0x38;
	[tilespmem:$0x1E900] =	vst v63  }
0x40: {  	s30 =	simm.s32 $0x80;
	s31 =	smov.u32 s12;
	s1 =	simm.s32 $0x1  }
0x41: {  	[spmem:s2] =	stream.indirect.scatter.add.f32 [tilespmem:s15], [sflag:$0x5], $0x80, s3, s23, $0xb8;
	[tilespmem:$0x1E900] =	vst v63  }
.LBB2_4:
0x42: {  	s1 =	sadd.s32 $0x1, s1  }
0x43: {  	p0 =	sne.s32 s1, $0x4F  }
.Ltmp3:
0x44: {  	_ = 	snop;
	(pc) =	sbr.rel @!p0 .LBB2_5-.Ltmp3, $2  }
0x45: {  	_ =	sdelay $0x2  }
0x46: {  	s31 =	sadd.s32 $0x10, s31;
	s30 =	sadd.s32 $0x80, s30  }
.LBB2_2:
0x47: {  	s0 =	sand.u32 $0x1, s1  }
0x48: {  	p0 =	seq.s32 s0, $0x1  }
0x49: {  	s24 =	simm.s32 @!p0 $0x2  }
0x4a: {  	_ =	swait.ge @!p0 [sflag:s24], $0x80  }
0x4b: {  	[sflag:s24] =	ssyncset.done @!p0 $0x0  }
0x4c: {  	[sflag:s24] =	ssyncadd.s32 @!p0 $0xFFFFFF80;
	s24 =	simm.s32 @!p0 $0x3  }
0x4d: {  	_ =	swait.ge @!p0 [sflag:s24], $0x4000  }
0x4e: {  	[sflag:s24] =	ssyncset.done @!p0 $0x0  }
0x4f: {  	[sflag:s24] =	ssyncadd.s32 @!p0 $0xFFFFC000;
	s24 =	simm.s32 @!p0 $0x6  }
0x50: {  	s5 =	simm.s32 @!p0 $0x2880;
	_ =	swait.ge @!p0 [sflag:s24], $0x4000  }
0x51: {  	s7 =	simm.s32 @!p0 $0x6900;
	p1 =	sgt.u32 @!p0 s1, $0x4D;
	[sflag:s24] =	ssyncset.done @!p0 $0x0  }
0x52: {  	p1 =	por p1, p0;
	[sflag:s24] =	ssyncadd.s32 @!p0 $0xFFFFC000;
	s24 =	simm.s32 @!p0 $0x80  }
0x53: {  	[tilespmem:s7], [sflag:$0x4] =	stream.indirect.gather @!p0 [hbm4b:s4+s24], $0x80, s5, s24, $0xb8;
	[tilespmem:$0x1E900] =	vst v63  }
0x54: {  	s5 =	simm.s32 @!p1 $0x0;
	s7 =	simm.s32 @!p1 $0x2800  }
0x55: {  	[tilespmem:s7], [sflag:$0x1] =	stream.linear.gather @!p1 [hbm4b:s31+s5], $0x80, $0x38;
	[tilespmem:$0x1E900] =	vst v63  }
0x56: {  	s5 =	simm.s32 @!p0 $0x2900;
	p1 =	seq.s32 @!p0 s0, $0x0  }
0x57: {  	[spmem:s2] =	stream.indirect.scatter.add.f32 @!p0 [tilespmem:s5], [sflag:$0x5], $0x80, s30, s24, $0xb8;
	[tilespmem:$0x1E900] =	vst v63  }
0x58: {  	p0 =	por p0, !p1  }
.Ltmp4:
0x59: {  	_ = 	snop;
	(pc) =	sbr.rel @!p0 .LBB2_4-.Ltmp4, $1  }
0x5a: {  	_ =	sdelay $0x3  }
0x5b: {  	_ =	swait.ge [sflag:s28], $0x80  }
0x5c: {  	[sflag:s28] =	ssyncset.done $0x0  }
0x5d: {  	[sflag:s28] =	ssyncadd.s32 $0xFFFFFF80  }
0x5e: {  	_ =	swait.ge [sflag:s22], $0x4000  }
0x5f: {  	[sflag:s22] =	ssyncset.done $0x0  }
0x60: {  	[sflag:s22] =	ssyncadd.s32 $0xFFFFC000  }
0x61: {  	_ =	swait.ge [sflag:s25], $0x4000  }
0x62: {  	[sflag:s25] =	ssyncset.done $0x0  }
0x63: {  	[sflag:s25] =	ssyncadd.s32 $0xFFFFC000  }
0x64: {  	[tilespmem:s15], [sflag:$0x3] =	stream.indirect.gather [hbm4b:s4+s23], $0x80, s13, s23, $0xb8;
	[tilespmem:$0x1E900] =	vst v63  }
.Ltmp5:
0x65: {  	p0 =	sgt.u32 s1, $0x4D;
	(pc) =	sbr.rel .LBB2_4-.Ltmp5, $4  }
0x66: {  	s0 =	simm.s32 @!p0 $0x0;
	s5 =	simm.s32 @!p0 $0x2880  }
0x67: {  	[tilespmem:s5], [sflag:$0x2] =	stream.linear.gather @!p0 [hbm4b:s31+s0], $0x80, $0x38;
	[tilespmem:$0x1E900] =	vst v63  }
0x68: {  	_ = 	snop  }
0x69: {  	[spmem:s2] =	stream.indirect.scatter.add.f32 [tilespmem:s21], [sflag:$0x6], $0x80, s30, s23, $0xb8;
	[tilespmem:$0x1E900] =	vst v63  }
.LBB2_6:
0x6a: {  	_ =	sfence.sel $0x180000  }
0x6b: {  	[bflag:$0x0] =	sbarrier.arrive $0xFFFF  }
0x6c: {  	_ =	strace $0x9000004A  }
0x6d: {  	s0 =	stileid.u32;
	[bflag:$0x2] =	sbarrier.arrive $0xFFFF  }
0x6e: {  	p0 =	sne.s32 s0, $0x0;
	s0 =	rddreg [dreg:$0x2]  }
0x6f: {  	s0 =	sadd.s32 @!p0 $0x100000, s0  }
0x70: {  	[sflag:s0] =	ssyncadd.tile.s32 @!p0 $0x1;
	_ =	shalt  }
.Lfunc_end2:
_tile_overlayer_lowered:
.L_overlay_start_2:
0x71: {  	(tag) =	ssettag $0x2  }
0x72: {  	s0 =	rddreg [dreg:$0x0];
	s2 =	stileid.u32  }
0x73: {  	s1 =	rddreg [dreg:$0x1];
	p0 =	sne.s32 s2, $0x0  }
0x74: {  	s3 =	rddreg [dreg:$0x2];
	[bflag:$0x3] =	sbarrier.arrive $0xFFFF;
	s2 =	simm.s32 @!p0 $0x1C07  }
0x75: {  	[timem:s3], [sflag:s2] =	dma.local @!p0 [hbm:s0], s1  }
0x76: {  	s0 =	simm.s32 @!p0 $0x7  }
0x77: {  	_ =	swait.ge @!p0 [sflag:s0], s1  }
0x78: {  	s1 =	ssub.s32 @!p0 $0x0, s1;
	[sflag:s0] =	ssyncset.done @!p0 $0x0  }
0x79: {  	[sflag:s0] =	ssyncadd.s32 @!p0 s1  }
0x7a: {  	[bflag:$0x3] =	sbarrier.arrive $0xFFFF  }
0x7b: {  	_ =	shalt  }

// kernel: sc_segsum_deg.3.cloned.1.call-start
scs
__scs_entry_jumppad:
0x0: {  	(pc) =	sbr.rel $0x88, $3  }
0x1: {  	(tag) =	ssettag $0x0;
	lr =	simm.s32 $0x1  }
0x2: {  	[smem:$0x3F95] =	sst lr;
	_ =	strace $0xD0000000  }
0x3: {  	_ = 	snop  }
0x4: {  	_ = 	snop  }
0x5: {  	_ = 	snop  }
0x6: {  	_ = 	snop  }
0x7: {  	_ = 	snop  }
__scs_overlays_trampoline_lowered:
0x8: {  	[smem:$0x3FA4] =	sst s0  }
0x9: {  	[smem:$0x3FA5] =	sst s1  }
0xa: {  	[smem:$0x3FA6] =	sst s2  }
0xb: {  	[smem:$0x3FA7] =	sst s3  }
0xc: {  	[smem:$0x3FA8] =	sst s4  }
0xd: {  	[smem:$0x3FA9] =	sst s5  }
0xe: {  	[smem:$0x3FAA] =	sst s6  }
0xf: {  	[smem:$0x3FAB] =	sst s7  }
0x10: {  	[smem:$0x3FAC] =	sst s8  }
0x11: {  	[smem:$0x3FAD] =	sst s9;
	s0 =	simm.s32 @!p0 $0x0  }
0x12: {  	s1 =	sld [smem:$0x3F93];
	s0 =	simm.s32 @p0 $0x1  }
0x13: {  	[smem:$0x3FAE] =	sst s0;
	s0 =	simm.s32 @!p1 $0x0  }
0x14: {  	s2 =	sld [smem:$0x3F92];
	s0 =	simm.s32 @p1 $0x1  }
0x15: {  	[smem:$0x3FAF] =	sst s0;
	s0 =	simm.s32 @!p2 $0x0  }
0x16: {  	s3 =	sld [smem:$0x3FDB];
	s0 =	simm.s32 @p2 $0x1  }
0x17: {  	s4 =	simm.s32 $0x1BF5;
	[smem:$0x3FB1] =	sst s0  }
0x18: {  	s0 =	sld [smem:$0x3F94];
	_ =	swait.ge [sflag:s4], $0x0  }
0x19: {  	s7 =	sld [smem:$0x3F95]  }
0x1a: {  	s8 =	sadd.s32 $0xFFFFE003, lr  }
0x1b: {  	s9 =	sadd.s32 $0xFFFFFEF7, lr;
	s5 =	simm.s32 $0xFFFFFFFF;
	p2 =	slt.u32 s8, $0xFFFFF086  }
0x1c: {  	p1 =	slt.u32 s9, $0xF7A;
	s5 =	simm.s32 @!p2 $0x0  }
0x1d: {  	s5 =	simm.s32 @p1 $0x1;
	p0 =	seq.s32 s7, s2  }
0x1e: {  	s7 =	smul.u32 @!p0 $0xF7A, s2;
	p2 =	seq.s32 @!p0 s5, $0x0  }
0x1f: {  	s9 =	smul.u32 $0xF7A, s1;
	s8 =	simm.s32 @!p0 $0x1BF5;
	p2 =	por !p2, p0  }
0x20: {  	[sflag:s8] =	ssyncset.s32 @!p0 $0xFFFFF086;
	s6 =	sadd.s32 @!p0 s3, s7;
	s7 =	simm.s32 @!p0 $0x108  }
0x21: {  	s3 =	sadd.s32 s3, s9;
	s6 =	sadd.s32 @!p0 $0x88, s6;
	s7 =	simm.s32 @p2 $0x1082  }
0x22: {  	[simem:s7], [sflag:s8] =	dma.local @!p0 [hbm:s6], $0xF7A  }
0x23: {  	s9 =	sor.u32 $0xD0000000, s2;
	s6 =	simm.s32 $0x108;
	_ =	swait.ge @!p0 [sflag:s8], $0x0  }
0x24: {  	s3 =	sadd.s32 $0x88, s3;
	s6 =	simm.s32 @!p1 $0x1082;
	[sflag:s4] =	ssyncset.s32 $0xFFFFF086  }
0x25: {  	[simem:s6], [sflag:s4] =	dma.local [hbm:s3], $0xF7A  }
0x26: {  	[smem:$0x3F95] =	sst s1;
	(tag) =	ssettag s2;
	_ =	strace s9  }
0x27: {  	s1 =	sld [smem:$0x3FA5]  }
0x28: {  	s2 =	sld [smem:$0x3FA6]  }
0x29: {  	s4 =	sld [smem:$0x3FA8]  }
0x2a: {  	p0 =	seq.s32 s5, $0x0;
	s5 =	sld [smem:$0x3FA9]  }
0x2b: {  	s6 =	sld [smem:$0x3FAA]  }
0x2c: {  	s7 =	sld [smem:$0x3FAB]  }
0x2d: {  	s3 =	simm.s32 $0x108;
	s8 =	sld [smem:$0x3FAC]  }
0x2e: {  	s3 =	simm.s32 @!p0 $0x1082;
	s9 =	sld [smem:$0x3FAD]  }
0x2f: {  	lr =	sadd.s32 s0, s3;
	s0 =	sld [smem:$0x3FA4]  }
0x30: {  	s3 =	sld [smem:$0x3FA7]  }
0x31: {  	[smem:$0x3FB0] =	sst s10  }
0x32: {  	s10 =	sld [smem:$0x3FAE];
	_ =	sdelay $0x3  }
0x33: {  	p0 =	seq.s32 s10, $0x1;
	s10 =	sld [smem:$0x3FB0];
	_ =	sdelay $0x3  }
0x34: {  	[smem:$0x3FB0] =	sst s10  }
0x35: {  	s10 =	sld [smem:$0x3FAF];
	_ =	sdelay $0x3  }
0x36: {  	p1 =	seq.s32 s10, $0x1;
	s10 =	sld [smem:$0x3FB0];
	_ =	sdelay $0x3  }
0x37: {  	[smem:$0x3FB0] =	sst s10  }
0x38: {  	s10 =	sld [smem:$0x3FB1]  }
0x39: {  	_ = 	snop;
	(pc) =	sbr.ind lr, $3  }
0x3a: {  	_ = 	snop  }
0x3b: {  	_ = 	snop  }
0x3c: {  	p2 =	seq.s32 s10, $0x1;
	s10 =	sld [smem:$0x3FB0]  }
0x3d: {  	_ =	shalt  }
0x3e: {  	_ =	shalt  }
0x3f: {  	_ =	shalt  }
0x40: {  	_ =	shalt  }
0x41: {  	_ =	shalt  }
0x42: {  	_ =	shalt  }
0x43: {  	_ =	shalt  }
0x44: {  	_ =	shalt  }
0x45: {  	_ =	shalt  }
0x46: {  	_ =	shalt  }
0x47: {  	_ =	shalt  }
0x48: {  	_ =	shalt  }
0x49: {  	_ =	shalt  }
0x4a: {  	_ =	shalt  }
0x4b: {  	_ =	shalt  }
0x4c: {  	_ =	shalt  }
0x4d: {  	_ =	shalt  }
0x4e: {  	_ =	shalt  }
0x4f: {  	_ =	shalt  }
0x50: {  	_ =	shalt  }
0x51: {  	_ =	shalt  }
0x52: {  	_ =	shalt  }
0x53: {  	_ =	shalt  }
0x54: {  	_ =	shalt  }
0x55: {  	_ =	shalt  }
0x56: {  	_ =	shalt  }
0x57: {  	_ =	shalt  }
0x58: {  	_ =	shalt  }
0x59: {  	_ =	shalt  }
0x5a: {  	_ =	shalt  }
0x5b: {  	_ =	shalt  }
0x5c: {  	_ =	shalt  }
0x5d: {  	_ =	shalt  }
0x5e: {  	_ =	shalt  }
0x5f: {  	_ =	shalt  }
0x60: {  	_ =	shalt  }
0x61: {  	_ =	shalt  }
0x62: {  	_ =	shalt  }
0x63: {  	_ =	shalt  }
0x64: {  	_ =	shalt  }
0x65: {  	_ =	shalt  }
0x66: {  	_ =	shalt  }
0x67: {  	_ =	shalt  }
0x68: {  	_ =	shalt  }
0x69: {  	_ =	shalt  }
0x6a: {  	_ =	shalt  }
0x6b: {  	_ =	shalt  }
0x6c: {  	_ =	shalt  }
0x6d: {  	_ =	shalt  }
0x6e: {  	_ =	shalt  }
0x6f: {  	_ =	shalt  }
0x70: {  	_ =	shalt  }
0x71: {  	_ =	shalt  }
0x72: {  	_ =	shalt  }
0x73: {  	_ =	shalt  }
0x74: {  	_ =	shalt  }
0x75: {  	_ =	shalt  }
0x76: {  	_ =	shalt  }
0x77: {  	_ =	shalt  }
0x78: {  	_ =	shalt  }
0x79: {  	_ =	shalt  }
0x7a: {  	_ =	shalt  }
0x7b: {  	_ =	shalt  }
0x7c: {  	_ =	shalt  }
0x7d: {  	_ =	shalt  }
0x7e: {  	_ =	shalt  }
0x7f: {  	_ =	shalt  }
0x80: {  	_ =	shalt  }
0x81: {  	_ =	shalt  }
0x82: {  	_ =	shalt  }
0x83: {  	_ =	shalt  }
0x84: {  	_ =	shalt  }
0x85: {  	_ =	shalt  }
0x86: {  	_ =	shalt  }
0x87: {  	_ =	shalt  }
.Lfunc_end0:
.L_simem_size_0:
called_computation_lowered:
.L_overlay_start_0:
0x88: {  	s2 =	sld [smem:$0x3FD9]  }
0x89: {  	s3 =	sld [smem:$0x3FFE];
	_ =	sdelay $0x1  }
0x8a: {  	s1 =	srdreg.scid  }
0x8b: {  	s0 =	sand.u32 $0x1, s1  }
0x8c: {  	s17 =	sshll.u32 s0, $0xA;
	s2 =	sadd.s32 s3, s2  }
0x8d: {  	s2 =	sadd.s32 s2, s17  }
0x8e: {  	[smem:$0x3FBC] =	sst s2  }
0x8f: {  	_ = 	snop  }
0x90: {  	s2 =	sld [smem:$0x3FD0];
	(tm) =	ssettm $0x1  }
0x91: {  	s18 =	sld [smem:$0x3FFB];
	_ =	sdelay $0x3  }
0x92: {  	_ =	strace s18  }
0x93: {  	s3 =	sld [smem:$0x3FFC];
	_ =	sdelay $0x3  }
0x94: {  	_ =	strace s3  }
0x95: {  	s3 =	sld [smem:$0x3FFD];
	_ =	sdelay $0x3  }
0x96: {  	_ =	strace s3  }
0x97: {  	_ =	strace $0x8FFFFFFF  }
0x98: {  	s19 =	sld [smem:$0x3FDB];
	_ =	sdelay $0x1  }
0x99: {  	s4 =	simm.s32 $_scs_section_size  }
0x9a: {  	s5 =	simm.s32 $_size__tile_overlayer_lowered;
	s6 =	simm.s32 $_tile_overlayer_lowered  }
0x9b: {  	s22 =	simm.s32 $0x1BFF;
	s21 =	sshll.u32 s6, $0x1;
	s3 =	sadd.s32 s4, s19  }
0x9c: {  	s7 =	simm.s32 $0x0;
	s20 =	sshll.u32 s5, $0x1;
	s5 =	sadd.s32 s21, s3  }
0x9d: {  	[timem:s7], [sflag:s22] =	dma.local [hbm:s5], s20  }
0x9e: {  	_ =	swait.ge [sflag:s22], s20  }
0x9f: {  	s4 =	ssub.s32 $0x0, s20;
	[sflag:s22] =	ssyncset.done $0x0  }
0xa0: {  	[sflag:s22] =	ssyncadd.s32 s4;
	_ =	sdelay $0x1  }
0xa1: {  	s23 =	simm.s32 $0x1B8B  }
0xa2: {  	_ =	swait.ge [sflag:s23], $0x1  }
0xa3: {  	[sflag:s23] =	ssyncset.done $0x0  }
0xa4: {  	s25 =	simm.s32 $0x1B8E;
	s24 =	sld [smem:$0x3FFE];
	[sflag:s23] =	ssyncadd.s32 $0xFFFFFFFF  }
0xa5: {  	s26 =	simm.s32 $execute0_lowered;
	[smem:$0x3FD2] =	sst s25  }
0xa6: {  	s5 =	sshll.u32 s26, $0x1;
	_ =	strace $0x80000046;
	[dreg:$0x1] =	wrdreg $0xFFFFFFFF  }
0xa7: {  	s28 =	simm.s32 $_size_execute0_lowered;
	s3 =	sadd.s32 s3, s5;
	[dreg:$0x0] =	wrdreg $0x0  }
0xa8: {  	s5 =	sshll.u32 s28, $0x1;
	[dreg:$0x2] =	wrdreg s3  }
0xa9: {  	[dreg:$0x3] =	wrdreg s5  }
0xaa: {  	[dreg:$0x4] =	wrdreg $0xC0  }
0xab: {  	_ =	task [dreg:s7], $0x5FFFF  }
0xac: {  	[dreg:$0x1] =	wrdreg $0xFFFFFFFF  }
0xad: {  	[dreg:$0x0] =	wrdreg $0x60  }
0xae: {  	[dreg:$0x2] =	wrdreg s24  }
0xaf: {  	[dreg:$0x3] =	wrdreg s2  }
0xb0: {  	[dreg:$0x4] =	wrdreg $0xA9000  }
0xb1: {  	[dreg:$0x5] =	wrdreg $0x1E9800  }
0xb2: {  	[dreg:$0x6] =	wrdreg $0x9  }
0xb3: {  	_ =	task.clear_ibuf [dreg:s7], $0x7FFFF;
	_ =	strace $0x90000046  }
0xb4: {  	s29 =	simm.s32 $0x9;
	_ =	strace $0x80000048  }
0xb5: {  	_ =	swait.ge [sflag:s29], $0x1  }
0xb6: {  	[sflag:s29] =	ssyncadd.s32 $0xFFFFFFFF  }
0xb7: {  	_ =	strace $0x90000048  }
0xb8: {  	_ =	sfence  }
0xb9: {  	s30 =	sld [smem:$0x0];
	_ =	sdelay $0x2  }
0xba: {  	s31 =	sshll.u32 s1, $0xD;
	s1 =	sshrl.u32 s1, $0x2  }
0xbb: {  	s3 =	sand.u32 $0x4000, s31;
	s1 =	sadd.s32 s1, s30  }
0xbc: {  	s0 =	sor.u32 s3, s0;
	s1 =	sshll.u32 s1, $0x11  }
0xbd: {  	s0 =	sor.u32 s1, s0  }
0xbe: {  	s0 =	sadd.s32 $0x8F2B, s0  }
0xbf: {  	[sflag:s0] =	ssyncadd.remote.s32 $0x1  }
0xc0: {  	_ =	sfence.sel $0xFFFF  }
0xc1: {  	[dreg:$0x0] =	wrdreg $0xFFFFFFFF;
	(pc) =	sbr.abs _section_cstart, $3  }
0xc2: {  	[dreg:$0x1] =	wrdreg $0xFFFFFFFF  }
0xc3: {  	_ =	task.clear_ibuf [dreg:s7], $0x2FFFF;
	_ =	strace $0x9FFFFFFF  }
0xc4: {  	(tm) =	ssettm $0x7FFFFFFF  }
0xc5: {  	_ =	shalt  }
tec
execute0_lowered:
.L_overlay_start_1:
0x0: {  	(tag) =	ssettag $0x1  }
0x1: {  	s0 =	rddreg [dreg:$0x0]  }
0x2: {  	s3 =	rddreg [dreg:$0x2]  }
0x3: {  	s1 =	srdreg.scid;
	s4 =	rddreg [dreg:$0x3]  }
0x4: {  	s15 =	stileid.u32;
	s5 =	simm.s32 $0x0;
	s29 =	simm.s32 $0x8  }
0x5: {  	s30 =	simm.s32 $0x5;
	s31 =	simm.s32 $0x6;
	s28 =	simm.s32 $0x0  }
0x6: {  	s1 =	sand.u32 $0x1, s1;
	[smem:$0x7FF] =	sst s5;
	s9 =	smul.u32 $0x14000, s15  }
0x7: {  	s6 =	sadd.s32 $0x3000, s0;
	s10 =	sadd.s32 $0x35000, s0;
	s12 =	smul.u32 $0x500, s15  }
0x8: {  	s13 =	sadd.s32 $0x3F200, s0;
	s26 =	sadd.s32 $0x3F000, s0;
	s18 =	smul.u32 $0xA00, s15  }
0x9: {  	s21 =	smul.u32 $0x2800, s15;
	s2 =	sshll.u32 s1, $0x4;
	_ =	strace $0x80000047  }
0xa: {  	s7 =	smul.u32 $0x140000, s1;
	[dreg:$0x5] =	wrdreg s13;
	s25 =	sshll.u32 s1, $0x7  }
0xb: {  	[dreg:$0x6] =	wrdreg s26;
	s13 =	smul.u32 $0x50000, s15;
	s17 =	ssub.s32 $0x2, s1  }
0xc: {  	s1 =	smul.u32 $0x28000, s1;
	s26 =	sshll.u32 s15, $0x6;
	s2 =	sor.u32 s15, s2  }
0xd: {  	s14 =	sshrl.u32 s17, $0x1;
	s23 =	sshrl.u32 s18, $0x2;
	s18 =	simm.s32 $0x2800  }
0xe: {  	s2 =	smul.u32 $0x2800, s2;
	s7 =	sadd.s32 s9, s7;
	s9 =	sor.u32 s25, s12  }
0xf: {  	s19 =	ssub.s32 s17, s14;
	s22 =	sshrl.u32 s13, $0x2;
	s12 =	sadd.s32 s23, s4  }
0x10: {  	s1 =	sadd.s32 s21, s1;
	s21 =	simm.s32 $0x2880;
	s7 =	sshrl.u32 s7, $0x3  }
0x11: {  	s9 =	sshrl.u32 s9, $0x3;
	[dreg:$0xa] =	wrdreg s12;
	s1 =	sor.u32 $0x180, s1  }
0x12: {  	s25 =	smax.u32 s19, $0x1;
	s19 =	simm.s32 $0x7;
	s8 =	sshrl.u32 s2, $0x3  }
0x13: {  	s7 =	sadd.s32 s7, s0;
	s2 =	sor.u32 $0x100, s2;
	s1 =	sshrl.u32 s1, $0x3  }
0x14: {  	[dreg:$0xd] =	wrdreg s25;
	s25 =	simm.s32 $0x2;
	s16 =	sadd.s32 s10, s8  }
0x15: {  	s11 =	sadd.s32 s8, s0;
	s7 =	sadd.s32 $0x41A00, s7;
	[dreg:$0x7] =	wrdreg s16  }
0x16: {  	s0 =	sadd.s32 s9, s0;
	s20 =	sadd.s32 $0x10, s16;
	[dreg:$0xb] =	wrdreg s7  }
0x17: {  	s24 =	sshrl.u32 s2, $0x3;
	s11 =	sadd.s32 $0x2B000, s11;
	[dreg:$0x8] =	wrdreg s20  }
0x18: {  	s12 =	sadd.s32 s1, s10;
	s0 =	sadd.s32 $0x91A00, s0;
	[dreg:$0x9] =	wrdreg s11  }
0x19: {  	s1 =	simm.s32 $0x1;
	s11 =	sadd.s32 s22, s3;
	[dreg:$0xc] =	wrdreg s0  }
0x1a: {  	s0 =	sadd.s32 s10, s24;
	s22 =	sor.u32 $0x1C07, s26;
	s24 =	simm.s32 $0x1E900  }
0x1b: {  	s26 =	simm.s32 $0x3;
	[dreg:$0xe] =	wrdreg s0;
	s23 =	sshrl.u32 s11, $0x3  }
.LBB2_1:
0x1c: {  	s0 =	rddreg [dreg:$0x7]  }
0x1d: {  	[tilespmem:s18], [sflag:$0x7] =	stream.linear.gather [hbm4b:s0+s5], $0x80, $0x38;
	[tilespmem:$0x1EC00] =	vst v63  }
0x1e: {  	_ =	swait.ge [sflag:s19], $0x80  }
0x1f: {  	[sflag:s19] =	ssyncset.done $0x0  }
0x20: {  	s8 =	simm.s32 $0x80;
	s7 =	simm.s32 $0x2900;
	[sflag:s19] =	ssyncadd.s32 $0xFFFFFF80  }
0x21: {  	[tilespmem:s7], [sflag:$0x3] =	stream.indirect.gather [hbm4b:s6+s8], $0x80, s18, s8, $0xb8;
	[tilespmem:$0x1EC00] =	vst v63  }
0x22: {  	s9 =	rddreg [dreg:$0x8]  }
0x23: {  	[tilespmem:s21], [sflag:$0x2] =	stream.linear.gather [hbm4b:s9+s5], $0x80, $0x38;
	[tilespmem:$0x1EC00] =	vst v63  }
0x24: {  	s10 =	rddreg [dreg:$0x9]  }
0x25: {  	[tilespmem:s5], [sflag:$0x7] =	stream.linear.gather [hbm4b:s10+s5], $0x2800, $0x38;
	[tilespmem:$0x1EC00] =	vst v63  }
0x26: {  	_ =	swait.ge [sflag:s19], $0x2800  }
0x27: {  	[sflag:s19] =	ssyncset.done $0x0  }
0x28: {  	s11 =	rddreg [dreg:$0x5];
	[sflag:s19] =	ssyncadd.s32 $0xFFFFD800  }
0x29: {  	[spmem:s23], [sflag:s22] =	dma.local [hbm:s11], $0x2800  }
0x2a: {  	_ =	swait.ge [sflag:s19], $0x2800  }
0x2b: {  	[sflag:s19] =	ssyncset.done $0x0;
	s13 =	rddreg [dreg:$0xa]  }
0x2c: {  	s14 =	rddreg [dreg:$0x6];
	[sflag:s19] =	ssyncadd.s32 $0xFFFFD800;
	s2 =	sshrl.u32 s13, $0x3  }
0x2d: {  	[spmem:s2], [sflag:s22] =	dma.local [hbm:s14], $0x50  }
0x2e: {  	_ =	swait.ge [sflag:s19], $0x50  }
0x2f: {  	[sflag:s19] =	ssyncset.done $0x0  }
0x30: {  	[sflag:s19] =	ssyncadd.s32 $0xFFFFFFB0  }
0x31: {  	s15 =	rddreg [dreg:$0x1]  }
0x32: {  	[tilespmem:s24], [sflag:$0x7] =	stream.linear.gather [hbm4b:s15+s5], $0x80, $0x38;
	[tilespmem:$0x1EC00] =	vst v63  }
0x33: {  	_ =	swait.ge [sflag:s19], $0x80  }
0x34: {  	[sflag:s19] =	ssyncset.done $0x0  }
0x35: {  	[sflag:s19] =	ssyncadd.s32 $0xFFFFFF80  }
0x36: {  	[bflag:$0x0] =	sbarrier.arrive $0xFFFF  }
0x37: {  	_ =	swait.ge [sflag:s25], $0x80  }
0x38: {  	[sflag:s25] =	ssyncset.done $0x0  }
0x39: {  	[sflag:s25] =	ssyncadd.s32 $0xFFFFFF80  }
0x3a: {  	_ =	swait.ge [sflag:s26], $0x4000  }
0x3b: {  	[sflag:s26] =	ssyncset.done $0x0  }
0x3c: {  	s16 =	simm.s32 $0x6900;
	[sflag:s26] =	ssyncadd.s32 $0xFFFFC000  }
0x3d: {  	[tilespmem:s16], [sflag:$0x4] =	stream.indirect.gather [hbm4b:s6+s8], $0x80, s21, s8, $0xb8;
	[tilespmem:$0x1EC00] =	vst v63  }
0x3e: {  	s17 =	rddreg [dreg:$0xe]  }
0x3f: {  	[tilespmem:s18], [sflag:$0x1] =	stream.linear.gather [hbm4b:s17+s5], $0x80, $0x38;
	[tilespmem:$0x1EC00] =	vst v63  }
0x40: {  	s20 =	sand.u32 $0x1, s1  }
0x41: {  	[spmem:s3] =	stream.indirect.scatter.add.f32 [tilespmem:s7], [sflag:$0x5], $0x80, s5, s8, $0xb8;
	[tilespmem:$0x1EC00] =	vst v63  }
0x42: {  	p0 =	seq.s32 s20, $0x1  }
0x43: {  	[spmem:s4] =	stream.indirect.scatter.add.f32 [tilespmem:s24], [sflag:$0x8], $0x1, s5, s8, $0xb8;
	[tilespmem:$0x1EC00] =	vst v63  }
0x44: {  	p2 =	por @p0 $0x1, $0x1;
	_ =	swait.ge [sflag:s29], $0x80  }
0x45: {  	p1 =	por !p2, !p0;
	[sflag:s29] =	ssyncset.done $0x0  }
0x46: {  	s0 =	simm.s32 @!p1 $0x1;
	[sflag:s29] =	ssyncadd.s32 $0xFFFFFF80  }
0x47: {  	_ =	swait.ge @!p1 [sflag:s0], $0x80  }
0x48: {  	[sflag:s0] =	ssyncset.done @!p1 $0x0  }
0x49: {  	[sflag:s0] =	ssyncadd.s32 @!p1 $0xFFFFFF80;
	s0 =	simm.s32 @!p1 $0x4  }
0x4a: {  	_ =	swait.ge @!p1 [sflag:s0], $0x4000  }
0x4b: {  	p4 =	por @!p0 $0x0, $0x0;
	[sflag:s0] =	ssyncset.done @!p1 $0x0  }
0x4c: {  	p5 =	por @!p1 $0x0, $0x0;
	[sflag:s0] =	ssyncadd.s32 @!p1 $0xFFFFC000;
	s0 =	simm.s32 @!p1 $0x5  }
0x4d: {  	p3 =	por p2, !p0;
	p2 =	por @p0 p5, !p2;
	_ =	swait.ge @!p1 [sflag:s0], $0x4000  }
0x4e: {  	s9 =	simm.s32 $0x3;
	s10 =	simm.s32 @!p1 $0x2900;
	[sflag:s0] =	ssyncset.done @!p1 $0x0  }
0x4f: {  	s11 =	simm.s32 @!p1 $0x2800;
	[sflag:s0] =	ssyncadd.s32 @!p1 $0xFFFFC000;
	s0 =	simm.s32 @!p1 $0x80  }
0x50: {  	[tilespmem:s10], [sflag:$0x3] =	stream.indirect.gather @!p1 [hbm4b:s6+s0], $0x80, s11, s0, $0xb8;
	[tilespmem:$0x1EC00] =	vst v63  }
0x51: {  	s17 =	smov.u32 s12;
	s7 =	simm.s32 $0x2;
	p1 =	por p4, p0  }
0x52: {  	s11 =	simm.s32 @!p0 $0x8;
	p4 =	por p2, !p0;
	s0 =	simm.s32 $0x100  }
0x53: {  	s10 =	smov.u32 s12;
	s14 =	simm.s32 @!p4 $0x0;
	s15 =	simm.s32 @!p4 $0x2880  }
.LBB2_2:
0x54: {  	s20 =	simm.s32 @!p3 $0x4  }
0x55: {  	s17 =	sadd.s32 $0x10, s17;
	s13 =	smov.u32 s9;
	s9 =	sadd.s32 $0x1, s9  }
0x56: {  	[tilespmem:s15], [sflag:$0x2] =	stream.linear.gather @!p4 [hbm4b:s10+s14], $0x80, $0x38;
	[tilespmem:$0x1EC00] =	vst v63  }
0x57: {  	p2 =	sne.s32 s9, $0x50;
	_ =	swait.ge @!p3 [sflag:s20], $0x4000  }
0x58: {  	[sflag:s20] =	ssyncset.done @!p3 $0x0  }
0x59: {  	s14 =	simm.s32 @p0 $0x80;
	s15 =	simm.s32 @p0 $0x6900;
	[sflag:s20] =	ssyncadd.s32 @!p3 $0xFFFFC000  }
0x5a: {  	[spmem:s3] =	stream.indirect.scatter.add.f32 @p0 [tilespmem:s15], [sflag:$0x6], $0x80, s8, s14, $0xb8;
	[tilespmem:$0x1EC00] =	vst v63  }
0x5b: {  	s20 =	simm.s32 @!p0 $0x2;
	s15 =	simm.s32 @p0 $0x1E900  }
0x5c: {  	[spmem:s4] =	stream.indirect.scatter.add.f32 @p0 [tilespmem:s15], [sflag:$0x7], $0x1, s8, s14, $0xb8;
	[tilespmem:$0x1EC00] =	vst v63  }
0x5d: {  	_ =	swait.ge @!p0 [sflag:s20], $0x80  }
0x5e: {  	[sflag:s20] =	ssyncset.done @!p0 $0x0  }
0x5f: {  	s14 =	simm.s32 @!p0 $0x3;
	[sflag:s20] =	ssyncadd.s32 @!p0 $0xFFFFFF80  }
0x60: {  	_ =	swait.ge @!p0 [sflag:s14], $0x4000  }
0x61: {  	[sflag:s14] =	ssyncset.done @!p0 $0x0  }
0x62: {  	[sflag:s14] =	ssyncadd.s32 @!p0 $0xFFFFC000;
	s14 =	simm.s32 @!p0 $0x6  }
0x63: {  	_ =	swait.ge @!p0 [sflag:s14], $0x4000  }
0x64: {  	s15 =	simm.s32 @!p0 $0x6900;
	[sflag:s14] =	ssyncset.done @!p0 $0x0  }
0x65: {  	s20 =	simm.s32 @!p0 $0x2880;
	[sflag:s14] =	ssyncadd.s32 @!p0 $0xFFFFC000;
	s14 =	simm.s32 @!p0 $0x80  }
0x66: {  	[tilespmem:s15], [sflag:$0x4] =	stream.indirect.gather @!p0 [hbm4b:s6+s14], $0x80, s20, s14, $0xb8;
	[tilespmem:$0x1EC00] =	vst v63  }
0x67: {  	s15 =	simm.s32 @!p1 $0x0;
	s20 =	simm.s32 @!p1 $0x2800  }
0x68: {  	[tilespmem:s20], [sflag:$0x1] =	stream.linear.gather @!p1 [hbm4b:s10+s15], $0x80, $0x38;
	[tilespmem:$0x1EC00] =	vst v63  }
0x69: {  	s15 =	simm.s32 @!p0 $0x2900;
	s10 =	smov.u32 s17  }
0x6a: {  	[spmem:s3] =	stream.indirect.scatter.add.f32 @!p0 [tilespmem:s15], [sflag:$0x5], $0x80, s8, s14, $0xb8;
	[tilespmem:$0x1EC00] =	vst v63  }
0x6b: {  	s11 =	simm.s32 @p0 $0x7;
	s20 =	simm.s32 @!p0 $0x1E900;
	s15 =	sand.u32 $0x1, s7  }
0x6c: {  	[spmem:s4] =	stream.indirect.scatter.add.f32 @!p0 [tilespmem:s20], [sflag:$0x8], $0x1, s8, s14, $0xb8;
	[tilespmem:$0x1EC00] =	vst v63  }
0x6d: {  	p0 =	seq.s32 s15, $0x1;
	s8 =	smov.u32 s0;
	_ =	swait.ge [sflag:s11], $0x80  }
0x6e: {  	p4 =	sne.s32 @p0 s7, $0x4F;
	p1 =	sgt.u32 @!p0 s7, $0x4D;
	[sflag:s11] =	ssyncset.done $0x0  }
0x6f: {  	p5 =	por !p4, !p0;
	p3 =	por p4, !p0;
	[sflag:s11] =	ssyncadd.s32 $0xFFFFFF80  }
0x70: {  	p1 =	por p1, p0;
	s14 =	simm.s32 @!p5 $0x1;
	p6 =	sgt.u32 @!p5 s7, $0x4D  }
0x71: {  	s11 =	simm.s32 @!p0 $0x8;
	p4 =	por @p0 p6, !p4;
	_ =	swait.ge @!p5 [sflag:s14], $0x80  }
0x72: {  	s7 =	smov.u32 s13;
	p4 =	por p4, !p0;
	[sflag:s14] =	ssyncset.done @!p5 $0x0  }
0x73: {  	s13 =	simm.s32 @!p5 $0x4;
	[sflag:s14] =	ssyncadd.s32 @!p5 $0xFFFFFF80;
	s14 =	simm.s32 @!p4 $0x0  }
0x74: {  	s15 =	simm.s32 @!p4 $0x2880;
	_ =	swait.ge @!p5 [sflag:s13], $0x4000  }
0x75: {  	[sflag:s13] =	ssyncset.done @!p5 $0x0  }
.Ltmp0:
0x76: {  	[sflag:s13] =	ssyncadd.s32 @!p5 $0xFFFFC000;
	s13 =	simm.s32 @!p5 $0x5;
	(pc) =	sbr.rel @p2 .LBB2_2-.Ltmp0, $4  }
0x77: {  	_ =	swait.ge @!p5 [sflag:s13], $0x4000  }
0x78: {  	s0 =	sadd.s32 $0x80, s0;
	s20 =	simm.s32 @!p5 $0x2900;
	[sflag:s13] =	ssyncset.done @!p5 $0x0  }
0x79: {  	s16 =	simm.s32 @!p5 $0x2800;
	[sflag:s13] =	ssyncadd.s32 @!p5 $0xFFFFC000;
	s13 =	simm.s32 @!p5 $0x80  }
0x7a: {  	[tilespmem:s20], [sflag:$0x3] =	stream.indirect.gather @!p5 [hbm4b:s6+s13], $0x80, s16, s13, $0xb8;
	[tilespmem:$0x1EC00] =	vst v63  }
0x7b: {  	s9 =	simm.s32 @!p3 $0x4  }
0x7c: {  	[tilespmem:s15], [sflag:$0x2] =	stream.linear.gather @!p4 [hbm4b:s10+s14], $0x80, $0x38;
	[tilespmem:$0x1EC00] =	vst v63  }
0x7d: {  	_ =	swait.ge @!p3 [sflag:s9], $0x4000  }
0x7e: {  	[sflag:s9] =	ssyncset.done @!p3 $0x0  }
0x7f: {  	s13 =	simm.s32 @p0 $0x6900;
	[sflag:s9] =	ssyncadd.s32 @!p3 $0xFFFFC000;
	s9 =	simm.s32 @p0 $0x80  }
0x80: {  	[spmem:s3] =	stream.indirect.scatter.add.f32 @p0 [tilespmem:s13], [sflag:$0x6], $0x80, s8, s9, $0xb8;
	[tilespmem:$0x1EC00] =	vst v63  }
0x81: {  	s14 =	simm.s32 @!p0 $0x2;
	s13 =	simm.s32 @p0 $0x1E900  }
0x82: {  	[spmem:s4] =	stream.indirect.scatter.add.f32 @p0 [tilespmem:s13], [sflag:$0x7], $0x1, s8, s9, $0xb8;
	[tilespmem:$0x1EC00] =	vst v63  }
0x83: {  	_ =	swait.ge @!p0 [sflag:s14], $0x80  }
0x84: {  	[sflag:s14] =	ssyncset.done @!p0 $0x0  }
0x85: {  	s9 =	simm.s32 @!p0 $0x3;
	[sflag:s14] =	ssyncadd.s32 @!p0 $0xFFFFFF80  }
0x86: {  	_ =	swait.ge @!p0 [sflag:s9], $0x4000  }
0x87: {  	[sflag:s9] =	ssyncset.done @!p0 $0x0  }
0x88: {  	[sflag:s9] =	ssyncadd.s32 @!p0 $0xFFFFC000;
	s9 =	simm.s32 @!p0 $0x6  }
0x89: {  	_ =	swait.ge @!p0 [sflag:s9], $0x4000  }
0x8a: {  	s13 =	simm.s32 @!p0 $0x6900;
	[sflag:s9] =	ssyncset.done @!p0 $0x0  }
0x8b: {  	s14 =	simm.s32 @!p0 $0x2880;
	[sflag:s9] =	ssyncadd.s32 @!p0 $0xFFFFC000;
	s9 =	simm.s32 @!p0 $0x80  }
0x8c: {  	[tilespmem:s13], [sflag:$0x4] =	stream.indirect.gather @!p0 [hbm4b:s6+s9], $0x80, s14, s9, $0xb8;
	[tilespmem:$0x1EC00] =	vst v63  }
0x8d: {  	s13 =	simm.s32 @!p1 $0x0;
	s14 =	simm.s32 @!p1 $0x2800  }
0x8e: {  	[tilespmem:s14], [sflag:$0x1] =	stream.linear.gather @!p1 [hbm4b:s10+s13], $0x80, $0x38;
	[tilespmem:$0x1EC00] =	vst v63  }
0x8f: {  	s10 =	simm.s32 @!p0 $0x2900  }
0x90: {  	[spmem:s3] =	stream.indirect.scatter.add.f32 @!p0 [tilespmem:s10], [sflag:$0x5], $0x80, s8, s9, $0xb8;
	[tilespmem:$0x1EC00] =	vst v63  }
0x91: {  	s20 =	sand.u32 $0x1, s7;
	s13 =	simm.s32 @!p0 $0x1E900  }
0x92: {  	[spmem:s4] =	stream.indirect.scatter.add.f32 @!p0 [tilespmem:s13], [sflag:$0x8], $0x1, s8, s9, $0xb8;
	[tilespmem:$0x1EC00] =	vst v63  }
0x93: {  	s11 =	simm.s32 @p0 $0x7;
	p0 =	seq.s32 s20, $0x1  }
0x94: {  	_ =	swait.ge [sflag:s11], $0x80;
	p2 =	sne.s32 @p0 s7, $0x4F  }
0x95: {  	[sflag:s11] =	ssyncset.done $0x0;
	p1 =	por !p2, !p0  }
0x96: {  	[sflag:s11] =	ssyncadd.s32 $0xFFFFFF80;
	s8 =	simm.s32 @!p1 $0x1  }
0x97: {  	_ =	swait.ge @!p1 [sflag:s8], $0x80  }
0x98: {  	[sflag:s8] =	ssyncset.done @!p1 $0x0  }
0x99: {  	[sflag:s8] =	ssyncadd.s32 @!p1 $0xFFFFFF80;
	s8 =	simm.s32 @!p1 $0x4  }
0x9a: {  	_ =	swait.ge @!p1 [sflag:s8], $0x4000  }
0x9b: {  	s9 =	sadd.s32 $0x10, s17;
	[sflag:s8] =	ssyncset.done @!p1 $0x0  }
0x9c: {  	p3 =	por p2, !p0;
	[sflag:s8] =	ssyncadd.s32 @!p1 $0xFFFFC000;
	s8 =	simm.s32 @!p1 $0x5  }
0x9d: {  	p4 =	sgt.u32 @!p1 s7, $0x4D;
	s10 =	simm.s32 @!p1 $0x2900;
	_ =	swait.ge @!p1 [sflag:s8], $0x4000  }
0x9e: {  	s11 =	simm.s32 @!p1 $0x2800;
	p2 =	por @p0 p4, !p2;
	[sflag:s8] =	ssyncset.done @!p1 $0x0  }
0x9f: {  	p2 =	por p2, !p0;
	[sflag:s8] =	ssyncadd.s32 @!p1 $0xFFFFC000;
	s8 =	simm.s32 @!p1 $0x80  }
0xa0: {  	[tilespmem:s10], [sflag:$0x3] =	stream.indirect.gather @!p1 [hbm4b:s6+s8], $0x80, s11, s8, $0xb8;
	[tilespmem:$0x1EC00] =	vst v63  }
0xa1: {  	s8 =	simm.s32 @!p2 $0x0;
	s10 =	simm.s32 @!p2 $0x2880;
	s11 =	simm.s32 @!p3 $0x4  }
0xa2: {  	[tilespmem:s10], [sflag:$0x2] =	stream.linear.gather @!p2 [hbm4b:s9+s8], $0x80, $0x38;
	[tilespmem:$0x1EC00] =	vst v63  }
0xa3: {  	_ =	swait.ge @!p3 [sflag:s11], $0x4000  }
0xa4: {  	[sflag:s11] =	ssyncset.done @!p3 $0x0  }
0xa5: {  	s8 =	simm.s32 @p0 $0x80;
	s10 =	simm.s32 @p0 $0x6900;
	[sflag:s11] =	ssyncadd.s32 @!p3 $0xFFFFC000  }
0xa6: {  	[spmem:s3] =	stream.indirect.scatter.add.f32 @p0 [tilespmem:s10], [sflag:$0x6], $0x80, s0, s8, $0xb8;
	[tilespmem:$0x1EC00] =	vst v63  }
0xa7: {  	s11 =	simm.s32 @!p0 $0x2;
	s10 =	simm.s32 @p0 $0x1E900  }
0xa8: {  	[spmem:s4] =	stream.indirect.scatter.add.f32 @p0 [tilespmem:s10], [sflag:$0x7], $0x1, s0, s8, $0xb8;
	[tilespmem:$0x1EC00] =	vst v63  }
0xa9: {  	_ =	swait.ge @!p0 [sflag:s11], $0x80  }
0xaa: {  	[sflag:s11] =	ssyncset.done @!p0 $0x0  }
0xab: {  	s8 =	simm.s32 @!p0 $0x3;
	[sflag:s11] =	ssyncadd.s32 @!p0 $0xFFFFFF80  }
0xac: {  	_ =	swait.ge @!p0 [sflag:s8], $0x4000  }
0xad: {  	[sflag:s8] =	ssyncset.done @!p0 $0x0  }
0xae: {  	[sflag:s8] =	ssyncadd.s32 @!p0 $0xFFFFC000;
	s8 =	simm.s32 @!p0 $0x6  }
0xaf: {  	p1 =	sgt.u32 @!p0 s7, $0x4D;
	_ =	swait.ge @!p0 [sflag:s8], $0x4000  }
0xb0: {  	s7 =	simm.s32 @!p0 $0x6900;
	p1 =	por p1, p0;
	[sflag:s8] =	ssyncset.done @!p0 $0x0  }
0xb1: {  	s10 =	simm.s32 @!p0 $0x2880;
	[sflag:s8] =	ssyncadd.s32 @!p0 $0xFFFFC000;
	s8 =	simm.s32 @!p0 $0x80  }
0xb2: {  	[tilespmem:s7], [sflag:$0x4] =	stream.indirect.gather @!p0 [hbm4b:s6+s8], $0x80, s10, s8, $0xb8;
	[tilespmem:$0x1EC00] =	vst v63  }
0xb3: {  	s7 =	simm.s32 @!p1 $0x0;
	s10 =	simm.s32 @!p1 $0x2800  }
0xb4: {  	[tilespmem:s10], [sflag:$0x1] =	stream.linear.gather @!p1 [hbm4b:s9+s7], $0x80, $0x38;
	[tilespmem:$0x1EC00] =	vst v63  }
0xb5: {  	s7 =	simm.s32 @!p0 $0x8;
	s9 =	simm.s32 @!p0 $0x2900  }
0xb6: {  	[spmem:s3] =	stream.indirect.scatter.add.f32 @!p0 [tilespmem:s9], [sflag:$0x5], $0x80, s0, s8, $0xb8;
	[tilespmem:$0x1EC00] =	vst v63  }
0xb7: {  	s7 =	simm.s32 @p0 $0x7;
	s9 =	simm.s32 @!p0 $0x1E900  }
0xb8: {  	[spmem:s4] =	stream.indirect.scatter.add.f32 @!p0 [tilespmem:s9], [sflag:$0x8], $0x1, s0, s8, $0xb8;
	[tilespmem:$0x1EC00] =	vst v63  }
0xb9: {  	_ =	swait.ge [sflag:s7], $0x80  }
0xba: {  	[sflag:s7] =	ssyncset.done $0x0  }
0xbb: {  	[sflag:s7] =	ssyncadd.s32 $0xFFFFFF80  }
0xbc: {  	_ =	swait.ge [sflag:s30], $0x4000  }
0xbd: {  	[sflag:s30] =	ssyncset.done $0x0  }
0xbe: {  	[sflag:s30] =	ssyncadd.s32 $0xFFFFC000  }
0xbf: {  	_ =	swait.ge [sflag:s31], $0x4000  }
0xc0: {  	[sflag:s31] =	ssyncset.done $0x0  }
0xc1: {  	[sflag:s31] =	ssyncadd.s32 $0xFFFFC000  }
0xc2: {  	[bflag:$0x0] =	sbarrier.arrive $0xFFFF  }
0xc3: {  	s14 =	rddreg [dreg:$0xb]  }
0xc4: {  	[hbm:s14], [sflag:s22] =	dma.local [spmem:s23], $0x2800  }
0xc5: {  	_ =	swait.ge [sflag:s19], $0x2800  }
0xc6: {  	s16 =	simm.s32 $0x20;
	[sflag:s19] =	ssyncset.done $0x0  }
0xc7: {  	s17 =	simm.s32 $0x10;
	s15 =	rddreg [dreg:$0xc];
	[sflag:s19] =	ssyncadd.s32 $0xFFFFD800  }
0xc8: {  	[hbm:s15@s16], [sflag:s22] =	dma.strided [spmem:s2@s17], $0x50, s1, $0x10   }
0xc9: {  	_ =	swait.ge [sflag:s19], $0x50  }
0xca: {  	s28 =	sadd.s32 $0x1, s28;
	s20 =	rddreg [dreg:$0xd]  }
0xcb: {  	p0 =	sne.s32 s28, s20  }
.Ltmp1:
0xcc: {  	_ = 	snop;
	(pc) =	sbr.rel @p0 .LBB2_1-.Ltmp1, $3  }
0xcd: {  	_ =	sdelay $0x1  }
0xce: {  	[sflag:s19] =	ssyncset.done $0x0  }
0xcf: {  	[sflag:s19] =	ssyncadd.s32 $0xFFFFFFB0  }
0xd0: {  	_ =	sfence.sel $0x180000  }
0xd1: {  	[bflag:$0x0] =	sbarrier.arrive $0xFFFF  }
0xd2: {  	_ =	strace $0x90000047  }
0xd3: {  	s0 =	stileid.u32;
	[bflag:$0x2] =	sbarrier.arrive $0xFFFF  }
0xd4: {  	p0 =	sne.s32 s0, $0x0;
	s0 =	rddreg [dreg:$0x4]  }
0xd5: {  	s0 =	sadd.s32 @!p0 $0x100000, s0  }
0xd6: {  	[sflag:s0] =	ssyncadd.tile.s32 @!p0 $0x1;
	_ =	shalt  }
.Lfunc_end2:
_tile_overlayer_lowered:
.L_overlay_start_2:
0xd7: {  	(tag) =	ssettag $0x2  }
0xd8: {  	s0 =	rddreg [dreg:$0x0];
	s2 =	stileid.u32  }
0xd9: {  	s1 =	rddreg [dreg:$0x1];
	p0 =	sne.s32 s2, $0x0  }
0xda: {  	s3 =	rddreg [dreg:$0x2];
	[bflag:$0x3] =	sbarrier.arrive $0xFFFF;
	s2 =	simm.s32 @!p0 $0x1C07  }
0xdb: {  	[timem:s3], [sflag:s2] =	dma.local @!p0 [hbm:s0], s1  }
0xdc: {  	s0 =	simm.s32 @!p0 $0x7  }
0xdd: {  	_ =	swait.ge @!p0 [sflag:s0], s1  }
0xde: {  	s1 =	ssub.s32 @!p0 $0x0, s1;
	[sflag:s0] =	ssyncset.done @!p0 $0x0  }
0xdf: {  	[sflag:s0] =	ssyncadd.s32 @!p0 s1  }
0xe0: {  	[bflag:$0x3] =	sbarrier.arrive $0xFFFF  }
0xe1: {  	_ =	shalt  }

</sc_bundles>
